<compile_context>
chip_gen: v7x
topology: tpu7x:2x2x1
jax: 0.10.2.dev20260603
libtpu: 0.0.44.dev20260713+nightly
codegen_flags: <defaults>
</compile_context>

<pallas_src>
import functools

import jax
import jax.numpy as jnp
from jax import lax
from jax.experimental import pallas as pl
from jax.experimental.pallas import tpu as pltpu
from jax.experimental.pallas import tpu_sc as plsc

N_NODES = 10000
N_EDGES = 320000
D = 128
N_ETYPES = 8

NC = 2
NS = 16
NW = NC * NS
E_PER_W = N_EDGES // NW
B = 80
NB = E_PER_W // B
LANES = 16
CHUNKS = D // LANES

PACK_ROWS = 200
V_BASE = N_ETYPES * N_NODES


def _pack_body(h_ref, w_ref, o_ref):
    o_ref[...] = h_ref[...] * w_ref[pl.ds(pl.program_id(0), 1), :]


_pack = pl.pallas_call(
    _pack_body,
    grid=(N_ETYPES + 1, N_NODES // PACK_ROWS),
    in_specs=[
        pl.BlockSpec((PACK_ROWS, D), lambda t, r: (r, 0)),
        pl.BlockSpec((N_ETYPES + 1, D), lambda t, r: (0, 0)),
    ],
    out_specs=pl.BlockSpec(
        (PACK_ROWS, D),
        lambda t, r: (t * (N_NODES // PACK_ROWS) + r, 0)),
    out_shape=jax.ShapeDtypeStruct(((N_ETYPES + 1) * N_NODES, D), jnp.float32),
)


def _rot(x, idx):
    return lax.gather(
        x, idx[:, None],
        dimension_numbers=lax.GatherDimensionNumbers(
            offset_dims=(), collapsed_slice_dims=(0,), start_index_map=(0,)),
        slice_sizes=(1,),
        mode=lax.GatherScatterMode.PROMISE_IN_BOUNDS)


def _distmul_body(tab_hbm, u_hbm, v_hbm, t_hbm, out_hbm,
                  u_v, v_v, t_v, ru0_v, rv0_v, ru1_v, rv1_v,
                  sc_v, sem0, sem1):
    wid = lax.axis_index("s") * NC + lax.axis_index("c")
    base = wid * E_PER_W

    pltpu.sync_copy(u_hbm.at[pl.ds(base, E_PER_W)], u_v)
    pltpu.sync_copy(v_hbm.at[pl.ds(base, E_PER_W)], v_v)
    pltpu.sync_copy(t_hbm.at[pl.ds(base, E_PER_W)], t_v)

    def xform_body(i, carry):
        sl = pl.ds(i * LANES, LANES)
        u_v[sl] = u_v[sl] + t_v[sl] * N_NODES
        v_v[sl] = v_v[sl] + V_BASE
        return carry

    lax.fori_loop(0, E_PER_W // LANES, xform_body, 0, unroll=4)

    iota = lax.iota(jnp.int32, LANES)
    rots = [jnp.bitwise_and(iota + k, LANES - 1) for k in (8, 4, 2, 1)]
    bufs = ((ru0_v, rv0_v, sem0), (ru1_v, rv1_v, sem1))

    def copies(g, ru, rv, sem):
        e0 = g * B
        return (
            pltpu.make_async_copy(tab_hbm.at[u_v.at[pl.ds(e0, B)]], ru, sem),
            pltpu.make_async_copy(tab_hbm.at[v_v.at[pl.ds(e0, B)]], rv, sem),
        )

    def start_block(g, *buf):
        for c in copies(g, *buf):
            c.start()

    def wait_block(g, *buf):
        for c in copies(g, *buf):
            c.wait()

    def compute_block(g, ru_v, rv_v, sem):
        e0 = g * B

        def group_body(gg, gcarry):
            eg = gg * LANES

            def edge_body(ej, s):
                e = eg + ej
                acc = (ru_v[e, pl.ds(0, LANES)]
                       * rv_v[e, pl.ds(0, LANES)])
                for k in range(1, CHUNKS):
                    acc = acc + (ru_v[e, pl.ds(k * LANES, LANES)]
                                 * rv_v[e, pl.ds(k * LANES, LANES)])
                r = acc
                for rv in rots:
                    r = r + _rot(r, rv)
                return jnp.where(iota == ej, r, s)

            s = lax.fori_loop(0, LANES, edge_body,
                              jnp.zeros((LANES,), jnp.float32), unroll=2)
            sig = 1.0 / (1.0 + jnp.exp(-s))
            sc_v[pl.ds(e0 + eg, LANES)] = sig
            return gcarry

        lax.fori_loop(0, B // LANES, group_body, 0)

    start_block(0, *bufs[0])
    start_block(1, *bufs[1])

    def pair_body(i, carry):
        g0 = 2 * i
        wait_block(g0, *bufs[0])
        compute_block(g0, *bufs[0])
        start_block(g0 + 2, *bufs[0])
        g1 = g0 + 1
        wait_block(g1, *bufs[1])
        compute_block(g1, *bufs[1])

        @pl.when(g1 + 2 < NB)
        def _():
            start_block(g1 + 2, *bufs[1])

        return carry

    lax.fori_loop(0, (NB - 1) // 2, pair_body, 0)
    wait_block(NB - 1, *bufs[0])
    compute_block(NB - 1, *bufs[0])

    pltpu.sync_copy(sc_v, out_hbm.at[pl.ds(base, E_PER_W)])


_distmul = functools.partial(
    pl.kernel,
    mesh=plsc.VectorSubcoreMesh(core_axis_name="c", subcore_axis_name="s"),
    out_type=jax.ShapeDtypeStruct((N_EDGES,), jnp.float32),
    scratch_types=[
        pltpu.VMEM((E_PER_W,), jnp.int32),
        pltpu.VMEM((E_PER_W,), jnp.int32),
        pltpu.VMEM((E_PER_W,), jnp.int32),
        pltpu.VMEM((B, D), jnp.float32),
        pltpu.VMEM((B, D), jnp.float32),
        pltpu.VMEM((B, D), jnp.float32),
        pltpu.VMEM((B, D), jnp.float32),
        pltpu.VMEM((E_PER_W,), jnp.float32),
        pltpu.SemaphoreType.DMA,
        pltpu.SemaphoreType.DMA,
    ],
)(_distmul_body)


def kernel(h, u, v, etype, rel_weight):
    w9 = jnp.concatenate(
        [rel_weight, jnp.ones((1, D), jnp.float32)], axis=0)
    tab = _pack(h, w9)
    return _distmul(tab, u.astype(jnp.int32), v.astype(jnp.int32),
                    etype.astype(jnp.int32))

# --- scband reference (transcript-rebuilt; emitter-appended) ---
"""Pipeline reference for scband-dist-mul-17815524343862 (READ-ONLY COPY).

The authoritative reference and input builder live on the scoring server;
editing this copy changes nothing except your own understanding.
"""

import jax, jax.numpy as jnp
import numpy as np

N_NODES = 10000
N_EDGES = 320000
D = 128
N_ETYPES = 8


def setup_inputs(seed: int = 0) -> dict:
    key = jax.random.key(seed)
    k1, k2, k3, k4, k5 = jax.random.split(key, 5)
    h = jax.random.normal(k1, (N_NODES, D), dtype=jnp.float32)
    u = jax.random.randint(k2, (N_EDGES,), 0, N_NODES, dtype=jnp.int64) if jax.config.jax_enable_x64 else jax.random.randint(k2, (N_EDGES,), 0, N_NODES).astype(jnp.int32)
    v = jax.random.randint(k3, (N_EDGES,), 0, N_NODES).astype(u.dtype)
    etype = jax.random.randint(k4, (N_EDGES,), 0, N_ETYPES).astype(u.dtype)
    # xavier_normal_ with gain=calculate_gain('relu')=sqrt(2)
    gain = np.sqrt(2.0)
    std = gain * np.sqrt(2.0 / (N_ETYPES + D))
    rel_weight = jax.random.normal(k5, (N_ETYPES, D), dtype=jnp.float32) * std
    return {"h": h, "u": u, "v": v, "etype": etype, "rel_weight": rel_weight}


def reference(h, u, v, etype, rel_weight):
    # DistMul decoder: score(u, r, v) = sigmoid( sum_d h[u,d] * W[r,d] * h[v,d] )
    emb_u = jnp.take(h, u, axis=0)              # gather [E, D]
    emb_v = jnp.take(h, v, axis=0)              # gather [E, D]
    rel = jnp.take(rel_weight, etype, axis=0)   # gather [E, D]
    res = jnp.sum(emb_u * rel * emb_v, axis=1)  # [E]
    res = jax.nn.sigmoid(res)
    return res

if __name__ == "__main__":
    import jax
    _d = setup_inputs()
    print(jax.jit(kernel)(*tuple(_d.values())))

</pallas_src>

<mosaic_0001>
#map = affine_map<(d0, d1) -> (0, 0)>
#map1 = affine_map<(d0, d1) -> (0)>
module attributes {stable_mosaic.version = 14 : i64} {
  func.func @_distmul_body(%arg0: i32, %arg1: i32, %arg2: memref<90000x128xf32, #tpu.memory_space<hbm>>, %arg3: memref<320000xi32, #tpu.memory_space<hbm>>, %arg4: memref<320000xi32, #tpu.memory_space<hbm>>, %arg5: memref<320000xi32, #tpu.memory_space<hbm>>, %arg6: memref<320000xf32, #tpu.memory_space<hbm>>, %arg7: memref<10000xi32, #tpu.memory_space<vmem>>, %arg8: memref<10000xi32, #tpu.memory_space<vmem>>, %arg9: memref<10000xi32, #tpu.memory_space<vmem>>, %arg10: memref<80x128xf32, #tpu.memory_space<vmem>>, %arg11: memref<80x128xf32, #tpu.memory_space<vmem>>, %arg12: memref<80x128xf32, #tpu.memory_space<vmem>>, %arg13: memref<80x128xf32, #tpu.memory_space<vmem>>, %arg14: memref<10000xf32, #tpu.memory_space<vmem>>, %arg15: memref<!tpu.dma_semaphore, #tpu.memory_space<semaphore_mem>>, %arg16: memref<!tpu.dma_semaphore, #tpu.memory_space<semaphore_mem>>) attributes {dimension_semantics = [#tpu.dimension_semantics<core_parallel>, #tpu.dimension_semantics<subcore_parallel>], iteration_bounds = array<i64: 2, 16>, scalar_prefetch = 0 : i64, scratch_operands = 10 : i64, tpu.core_type = #tpu.core_type<sc_vector_subcore>, window_params = [{transform_indices = #map}, {transform_indices = #map1}, {transform_indices = #map1}, {transform_indices = #map1}, {transform_indices = #map1}]} {
    %mul3A = arith.constant 2 : i32
    %mul3A_0 = arith.muli %arg1, %mul3A : i32
    %add3A = arith.addi %mul3A_0, %arg0 : i32
    %mul3A_1 = arith.constant 10000 : i32
    %mul3A_2 = arith.muli %add3A, %mul3A_1 : i32
    "tpu.region"() ({
      %run_scoped3A = tpu.sem_alloc : memref<!tpu.dma_semaphore, #tpu.memory_space<semaphore_mem>>
      %dma_start3A_97 = tpu.memref_slice %arg3[%mul3A_2] : memref<320000xi32, #tpu.memory_space<hbm>> -> memref<10000xi32, #tpu.memory_space<hbm>>
      %dma_start3A_98 = tpu.memref_slice %arg3[%mul3A_2] : memref<320000xi32, #tpu.memory_space<hbm>> -> memref<10000xi32, #tpu.memory_space<hbm>>
      tpu.enqueue_dma source(%dma_start3A_98 : memref<10000xi32, #tpu.memory_space<hbm>>) target(%arg7 : memref<10000xi32, #tpu.memory_space<vmem>>) target_semaphore(%run_scoped3A : memref<!tpu.dma_semaphore, #tpu.memory_space<semaphore_mem>>)
      %dma_wait3A_99 = tpu.memref_slice %arg3[%mul3A_2] : memref<320000xi32, #tpu.memory_space<hbm>> -> memref<10000xi32, #tpu.memory_space<hbm>>
      %dma_wait3A_100 = tpu.memref_slice %arg3[%mul3A_2] : memref<320000xi32, #tpu.memory_space<hbm>> -> memref<10000xi32, #tpu.memory_space<hbm>>
      tpu.wait_dma2 semaphore(%run_scoped3A : memref<!tpu.dma_semaphore, #tpu.memory_space<semaphore_mem>>) src(%dma_wait3A_100 : memref<10000xi32, #tpu.memory_space<hbm>>) dst(%arg7 : memref<10000xi32, #tpu.memory_space<vmem>>)
      tpu.yield
    }) : () -> ()
    "tpu.region"() ({
      %run_scoped3A = tpu.sem_alloc : memref<!tpu.dma_semaphore, #tpu.memory_space<semaphore_mem>>
      %dma_start3A_97 = tpu.memref_slice %arg4[%mul3A_2] : memref<320000xi32, #tpu.memory_space<hbm>> -> memref<10000xi32, #tpu.memory_space<hbm>>
      %dma_start3A_98 = tpu.memref_slice %arg4[%mul3A_2] : memref<320000xi32, #tpu.memory_space<hbm>> -> memref<10000xi32, #tpu.memory_space<hbm>>
      tpu.enqueue_dma source(%dma_start3A_98 : memref<10000xi32, #tpu.memory_space<hbm>>) target(%arg8 : memref<10000xi32, #tpu.memory_space<vmem>>) target_semaphore(%run_scoped3A : memref<!tpu.dma_semaphore, #tpu.memory_space<semaphore_mem>>)
      %dma_wait3A_99 = tpu.memref_slice %arg4[%mul3A_2] : memref<320000xi32, #tpu.memory_space<hbm>> -> memref<10000xi32, #tpu.memory_space<hbm>>
      %dma_wait3A_100 = tpu.memref_slice %arg4[%mul3A_2] : memref<320000xi32, #tpu.memory_space<hbm>> -> memref<10000xi32, #tpu.memory_space<hbm>>
      tpu.wait_dma2 semaphore(%run_scoped3A : memref<!tpu.dma_semaphore, #tpu.memory_space<semaphore_mem>>) src(%dma_wait3A_100 : memref<10000xi32, #tpu.memory_space<hbm>>) dst(%arg8 : memref<10000xi32, #tpu.memory_space<vmem>>)
      tpu.yield
    }) : () -> ()
    "tpu.region"() ({
      %run_scoped3A = tpu.sem_alloc : memref<!tpu.dma_semaphore, #tpu.memory_space<semaphore_mem>>
      %dma_start3A_97 = tpu.memref_slice %arg5[%mul3A_2] : memref<320000xi32, #tpu.memory_space<hbm>> -> memref<10000xi32, #tpu.memory_space<hbm>>
      %dma_start3A_98 = tpu.memref_slice %arg5[%mul3A_2] : memref<320000xi32, #tpu.memory_space<hbm>> -> memref<10000xi32, #tpu.memory_space<hbm>>
      tpu.enqueue_dma source(%dma_start3A_98 : memref<10000xi32, #tpu.memory_space<hbm>>) target(%arg9 : memref<10000xi32, #tpu.memory_space<vmem>>) target_semaphore(%run_scoped3A : memref<!tpu.dma_semaphore, #tpu.memory_space<semaphore_mem>>)
      %dma_wait3A_99 = tpu.memref_slice %arg5[%mul3A_2] : memref<320000xi32, #tpu.memory_space<hbm>> -> memref<10000xi32, #tpu.memory_space<hbm>>
      %dma_wait3A_100 = tpu.memref_slice %arg5[%mul3A_2] : memref<320000xi32, #tpu.memory_space<hbm>> -> memref<10000xi32, #tpu.memory_space<hbm>>
      tpu.wait_dma2 semaphore(%run_scoped3A : memref<!tpu.dma_semaphore, #tpu.memory_space<semaphore_mem>>) src(%dma_wait3A_100 : memref<10000xi32, #tpu.memory_space<hbm>>) dst(%arg9 : memref<10000xi32, #tpu.memory_space<vmem>>)
      tpu.yield
    }) : () -> ()
    %scan3A = arith.constant 0 : i32
    %scan3A_3 = arith.constant 0 : i32
    %scan3A_4 = arith.constant 624 : i32
    %scan3A_5 = arith.addi %scan3A_3, %scan3A_4 : i32
    %scan3A_6 = arith.constant 4 : i32
    scf.for %scan3A_97 = %scan3A_3 to %scan3A_5 step %scan3A_6  : i32 {
      %mul3A_98 = arith.constant 16 : i32
      %mul3A_99 = arith.muli %scan3A_97, %mul3A_98 : i32
      %get3A_100 = arith.index_cast %mul3A_99 : i32 to index
      %get3A_101 = tpu.vector_load %arg7[%get3A_100] {strides = array<i32>} : memref<10000xi32, #tpu.memory_space<vmem>>, vector<16xi32>,
      %get3A_102 = vector.shape_cast %get3A_101 : vector<16xi32> to vector<16xi32>
      %get3A_103 = arith.index_cast %mul3A_99 : i32 to index
      %get3A_104 = tpu.vector_load %arg9[%get3A_103] {strides = array<i32>} : memref<10000xi32, #tpu.memory_space<vmem>>, vector<16xi32>,
      %get3A_105 = vector.shape_cast %get3A_104 : vector<16xi32> to vector<16xi32>
      %mul3A_106 = arith.constant 10000 : i32
      %mul3A_107 = vector.broadcast %mul3A_106 : i32 to vector<16xi32>
      %mul3A_108 = arith.muli %get3A_105, %mul3A_107 : vector<16xi32>
      %add3A_109 = arith.addi %get3A_102, %mul3A_108 : vector<16xi32>
      %swap3A_110 = arith.index_cast %mul3A_99 : i32 to index
      %swap3A_111 = tpu.vector_load %arg7[%swap3A_110] {strides = array<i32>} : memref<10000xi32, #tpu.memory_space<vmem>>, vector<16xi32>,
      %swap3A_112 = vector.shape_cast %swap3A_111 : vector<16xi32> to vector<16xi32>
      %swap3A_113 = vector.shape_cast %add3A_109 : vector<16xi32> to vector<16xi32>
      tpu.vector_store %arg7[%swap3A_110], %swap3A_113 {strides = array<i32>} : memref<10000xi32, #tpu.memory_space<vmem>>, vector<16xi32>,
      %get3A_114 = arith.index_cast %mul3A_99 : i32 to index
      %get3A_115 = tpu.vector_load %arg8[%get3A_114] {strides = array<i32>} : memref<10000xi32, #tpu.memory_space<vmem>>, vector<16xi32>,
      %get3A_116 = vector.shape_cast %get3A_115 : vector<16xi32> to vector<16xi32>
      %add3A_117 = arith.constant 80000 : i32
      %add3A_118 = vector.broadcast %add3A_117 : i32 to vector<16xi32>
      %add3A_119 = arith.addi %get3A_116, %add3A_118 : vector<16xi32>
      %swap3A_120 = arith.index_cast %mul3A_99 : i32 to index
      %swap3A_121 = tpu.vector_load %arg8[%swap3A_120] {strides = array<i32>} : memref<10000xi32, #tpu.memory_space<vmem>>, vector<16xi32>,
      %swap3A_122 = vector.shape_cast %swap3A_121 : vector<16xi32> to vector<16xi32>
      %swap3A_123 = vector.shape_cast %add3A_119 : vector<16xi32> to vector<16xi32>
      tpu.vector_store %arg8[%swap3A_120], %swap3A_123 {strides = array<i32>} : memref<10000xi32, #tpu.memory_space<vmem>>, vector<16xi32>,
      %scan3A_124 = arith.constant 1 : i32
      %scan3A_125 = arith.addi %scan3A_97, %scan3A_124 : i32
      %mul3A_126 = arith.constant 16 : i32
      %mul3A_127 = arith.muli %scan3A_125, %mul3A_126 : i32
      %get3A_128 = arith.index_cast %mul3A_127 : i32 to index
      %get3A_129 = tpu.vector_load %arg7[%get3A_128] {strides = array<i32>} : memref<10000xi32, #tpu.memory_space<vmem>>, vector<16xi32>,
      %get3A_130 = vector.shape_cast %get3A_129 : vector<16xi32> to vector<16xi32>
      %get3A_131 = arith.index_cast %mul3A_127 : i32 to index
      %get3A_132 = tpu.vector_load %arg9[%get3A_131] {strides = array<i32>} : memref<10000xi32, #tpu.memory_space<vmem>>, vector<16xi32>,
      %get3A_133 = vector.shape_cast %get3A_132 : vector<16xi32> to vector<16xi32>
      %mul3A_134 = arith.constant 10000 : i32
      %mul3A_135 = vector.broadcast %mul3A_134 : i32 to vector<16xi32>
      %mul3A_136 = arith.muli %get3A_133, %mul3A_135 : vector<16xi32>
      %add3A_137 = arith.addi %get3A_130, %mul3A_136 : vector<16xi32>
      %swap3A_138 = arith.index_cast %mul3A_127 : i32 to index
      %swap3A_139 = tpu.vector_load %arg7[%swap3A_138] {strides = array<i32>} : memref<10000xi32, #tpu.memory_space<vmem>>, vector<16xi32>,
      %swap3A_140 = vector.shape_cast %swap3A_139 : vector<16xi32> to vector<16xi32>
      %swap3A_141 = vector.shape_cast %add3A_137 : vector<16xi32> to vector<16xi32>
      tpu.vector_store %arg7[%swap3A_138], %swap3A_141 {strides = array<i32>} : memref<10000xi32, #tpu.memory_space<vmem>>, vector<16xi32>,
      %get3A_142 = arith.index_cast %mul3A_127 : i32 to index
      %get3A_143 = tpu.vector_load %arg8[%get3A_142] {strides = array<i32>} : memref<10000xi32, #tpu.memory_space<vmem>>, vector<16xi32>,
      %get3A_144 = vector.shape_cast %get3A_143 : vector<16xi32> to vector<16xi32>
      %add3A_145 = arith.constant 80000 : i32
      %add3A_146 = vector.broadcast %add3A_145 : i32 to vector<16xi32>
      %add3A_147 = arith.addi %get3A_144, %add3A_146 : vector<16xi32>
      %swap3A_148 = arith.index_cast %mul3A_127 : i32 to index
      %swap3A_149 = tpu.vector_load %arg8[%swap3A_148] {strides = array<i32>} : memref<10000xi32, #tpu.memory_space<vmem>>, vector<16xi32>,
      %swap3A_150 = vector.shape_cast %swap3A_149 : vector<16xi32> to vector<16xi32>
      %swap3A_151 = vector.shape_cast %add3A_147 : vector<16xi32> to vector<16xi32>
      tpu.vector_store %arg8[%swap3A_148], %swap3A_151 {strides = array<i32>} : memref<10000xi32, #tpu.memory_space<vmem>>, vector<16xi32>,
      %scan3A_152 = arith.constant 2 : i32
      %scan3A_153 = arith.addi %scan3A_97, %scan3A_152 : i32
      %mul3A_154 = arith.constant 16 : i32
      %mul3A_155 = arith.muli %scan3A_153, %mul3A_154 : i32
      %get3A_156 = arith.index_cast %mul3A_155 : i32 to index
      %get3A_157 = tpu.vector_load %arg7[%get3A_156] {strides = array<i32>} : memref<10000xi32, #tpu.memory_space<vmem>>, vector<16xi32>,
      %get3A_158 = vector.shape_cast %get3A_157 : vector<16xi32> to vector<16xi32>
      %get3A_159 = arith.index_cast %mul3A_155 : i32 to index
      %get3A_160 = tpu.vector_load %arg9[%get3A_159] {strides = array<i32>} : memref<10000xi32, #tpu.memory_space<vmem>>, vector<16xi32>,
      %get3A_161 = vector.shape_cast %get3A_160 : vector<16xi32> to vector<16xi32>
      %mul3A_162 = arith.constant 10000 : i32
      %mul3A_163 = vector.broadcast %mul3A_162 : i32 to vector<16xi32>
      %mul3A_164 = arith.muli %get3A_161, %mul3A_163 : vector<16xi32>
      %add3A_165 = arith.addi %get3A_158, %mul3A_164 : vector<16xi32>
      %swap3A_166 = arith.index_cast %mul3A_155 : i32 to index
      %swap3A_167 = tpu.vector_load %arg7[%swap3A_166] {strides = array<i32>} : memref<10000xi32, #tpu.memory_space<vmem>>, vector<16xi32>,
      %swap3A_168 = vector.shape_cast %swap3A_167 : vector<16xi32> to vector<16xi32>
      %swap3A_169 = vector.shape_cast %add3A_165 : vector<16xi32> to vector<16xi32>
      tpu.vector_store %arg7[%swap3A_166], %swap3A_169 {strides = array<i32>} : memref<10000xi32, #tpu.memory_space<vmem>>, vector<16xi32>,
      %get3A_170 = arith.index_cast %mul3A_155 : i32 to index
      %get3A_171 = tpu.vector_load %arg8[%get3A_170] {strides = array<i32>} : memref<10000xi32, #tpu.memory_space<vmem>>, vector<16xi32>,
      %get3A_172 = vector.shape_cast %get3A_171 : vector<16xi32> to vector<16xi32>
      %add3A_173 = arith.constant 80000 : i32
      %add3A_174 = vector.broadcast %add3A_173 : i32 to vector<16xi32>
      %add3A_175 = arith.addi %get3A_172, %add3A_174 : vector<16xi32>
      %swap3A_176 = arith.index_cast %mul3A_155 : i32 to index
      %swap3A_177 = tpu.vector_load %arg8[%swap3A_176] {strides = array<i32>} : memref<10000xi32, #tpu.memory_space<vmem>>, vector<16xi32>,
      %swap3A_178 = vector.shape_cast %swap3A_177 : vector<16xi32> to vector<16xi32>
      %swap3A_179 = vector.shape_cast %add3A_175 : vector<16xi32> to vector<16xi32>
      tpu.vector_store %arg8[%swap3A_176], %swap3A_179 {strides = array<i32>} : memref<10000xi32, #tpu.memory_space<vmem>>, vector<16xi32>,
      %scan3A_180 = arith.constant 3 : i32
      %scan3A_181 = arith.addi %scan3A_97, %scan3A_180 : i32
      %mul3A_182 = arith.constant 16 : i32
      %mul3A_183 = arith.muli %scan3A_181, %mul3A_182 : i32
      %get3A_184 = arith.index_cast %mul3A_183 : i32 to index
      %get3A_185 = tpu.vector_load %arg7[%get3A_184] {strides = array<i32>} : memref<10000xi32, #tpu.memory_space<vmem>>, vector<16xi32>,
      %get3A_186 = vector.shape_cast %get3A_185 : vector<16xi32> to vector<16xi32>
      %get3A_187 = arith.index_cast %mul3A_183 : i32 to index
      %get3A_188 = tpu.vector_load %arg9[%get3A_187] {strides = array<i32>} : memref<10000xi32, #tpu.memory_space<vmem>>, vector<16xi32>,
      %get3A_189 = vector.shape_cast %get3A_188 : vector<16xi32> to vector<16xi32>
      %mul3A_190 = arith.constant 10000 : i32
      %mul3A_191 = vector.broadcast %mul3A_190 : i32 to vector<16xi32>
      %mul3A_192 = arith.muli %get3A_189, %mul3A_191 : vector<16xi32>
      %add3A_193 = arith.addi %get3A_186, %mul3A_192 : vector<16xi32>
      %swap3A_194 = arith.index_cast %mul3A_183 : i32 to index
      %swap3A_195 = tpu.vector_load %arg7[%swap3A_194] {strides = array<i32>} : memref<10000xi32, #tpu.memory_space<vmem>>, vector<16xi32>,
      %swap3A_196 = vector.shape_cast %swap3A_195 : vector<16xi32> to vector<16xi32>
      %swap3A_197 = vector.shape_cast %add3A_193 : vector<16xi32> to vector<16xi32>
      tpu.vector_store %arg7[%swap3A_194], %swap3A_197 {strides = array<i32>} : memref<10000xi32, #tpu.memory_space<vmem>>, vector<16xi32>,
      %get3A_198 = arith.index_cast %mul3A_183 : i32 to index
      %get3A_199 = tpu.vector_load %arg8[%get3A_198] {strides = array<i32>} : memref<10000xi32, #tpu.memory_space<vmem>>, vector<16xi32>,
      %get3A_200 = vector.shape_cast %get3A_199 : vector<16xi32> to vector<16xi32>
      %add3A_201 = arith.constant 80000 : i32
      %add3A_202 = vector.broadcast %add3A_201 : i32 to vector<16xi32>
      %add3A_203 = arith.addi %get3A_200, %add3A_202 : vector<16xi32>
      %swap3A_204 = arith.index_cast %mul3A_183 : i32 to index
      %swap3A_205 = tpu.vector_load %arg8[%swap3A_204] {strides = array<i32>} : memref<10000xi32, #tpu.memory_space<vmem>>, vector<16xi32>,
      %swap3A_206 = vector.shape_cast %swap3A_205 : vector<16xi32> to vector<16xi32>
      %swap3A_207 = vector.shape_cast %add3A_203 : vector<16xi32> to vector<16xi32>
      tpu.vector_store %arg8[%swap3A_204], %swap3A_207 {strides = array<i32>} : memref<10000xi32, #tpu.memory_space<vmem>>, vector<16xi32>,
    }
    %scan3A_7 = arith.constant 624 : i32
    %scan3A_8 = arith.addi %scan3A_3, %scan3A_7 : i32
    %mul3A_9 = arith.constant 16 : i32
    %mul3A_10 = arith.muli %scan3A_8, %mul3A_9 : i32
    %get3A = arith.index_cast %mul3A_10 : i32 to index
    %get3A_11 = tpu.vector_load %arg7[%get3A] {strides = array<i32>} : memref<10000xi32, #tpu.memory_space<vmem>>, vector<16xi32>,
    %get3A_12 = vector.shape_cast %get3A_11 : vector<16xi32> to vector<16xi32>
    %get3A_13 = arith.index_cast %mul3A_10 : i32 to index
    %get3A_14 = tpu.vector_load %arg9[%get3A_13] {strides = array<i32>} : memref<10000xi32, #tpu.memory_space<vmem>>, vector<16xi32>,
    %get3A_15 = vector.shape_cast %get3A_14 : vector<16xi32> to vector<16xi32>
    %mul3A_16 = arith.constant 10000 : i32
    %mul3A_17 = vector.broadcast %mul3A_16 : i32 to vector<16xi32>
    %mul3A_18 = arith.muli %get3A_15, %mul3A_17 : vector<16xi32>
    %add3A_19 = arith.addi %get3A_12, %mul3A_18 : vector<16xi32>
    %swap3A = arith.index_cast %mul3A_10 : i32 to index
    %swap3A_20 = tpu.vector_load %arg7[%swap3A] {strides = array<i32>} : memref<10000xi32, #tpu.memory_space<vmem>>, vector<16xi32>,
    %swap3A_21 = vector.shape_cast %swap3A_20 : vector<16xi32> to vector<16xi32>
    %swap3A_22 = vector.shape_cast %add3A_19 : vector<16xi32> to vector<16xi32>
    tpu.vector_store %arg7[%swap3A], %swap3A_22 {strides = array<i32>} : memref<10000xi32, #tpu.memory_space<vmem>>, vector<16xi32>,
    %get3A_23 = arith.index_cast %mul3A_10 : i32 to index
    %get3A_24 = tpu.vector_load %arg8[%get3A_23] {strides = array<i32>} : memref<10000xi32, #tpu.memory_space<vmem>>, vector<16xi32>,
    %get3A_25 = vector.shape_cast %get3A_24 : vector<16xi32> to vector<16xi32>
    %add3A_26 = arith.constant 80000 : i32
    %add3A_27 = vector.broadcast %add3A_26 : i32 to vector<16xi32>
    %add3A_28 = arith.addi %get3A_25, %add3A_27 : vector<16xi32>
    %swap3A_29 = arith.index_cast %mul3A_10 : i32 to index
    %swap3A_30 = tpu.vector_load %arg8[%swap3A_29] {strides = array<i32>} : memref<10000xi32, #tpu.memory_space<vmem>>, vector<16xi32>,
    %swap3A_31 = vector.shape_cast %swap3A_30 : vector<16xi32> to vector<16xi32>
    %swap3A_32 = vector.shape_cast %add3A_28 : vector<16xi32> to vector<16xi32>
    tpu.vector_store %arg8[%swap3A_29], %swap3A_32 {strides = array<i32>} : memref<10000xi32, #tpu.memory_space<vmem>>, vector<16xi32>,
    %scan3A_33 = arith.constant 625 : i32
    %iota3A = tpu.iota {dimensions = array<i32: 0>} : vector<16xi32>
    %add3A_34 = arith.constant 8 : i32
    %add3A_35 = vector.broadcast %add3A_34 : i32 to vector<16xi32>
    %add3A_36 = arith.addi %iota3A, %add3A_35 : vector<16xi32>
    %and3A = arith.constant 15 : i32
    %and3A_37 = vector.broadcast %and3A : i32 to vector<16xi32>
    %and3A_38 = arith.andi %add3A_36, %and3A_37 : vector<16xi32>
    %add3A_39 = arith.constant 4 : i32
    %add3A_40 = vector.broadcast %add3A_39 : i32 to vector<16xi32>
    %add3A_41 = arith.addi %iota3A, %add3A_40 : vector<16xi32>
    %and3A_42 = arith.constant 15 : i32
    %and3A_43 = vector.broadcast %and3A_42 : i32 to vector<16xi32>
    %and3A_44 = arith.andi %add3A_41, %and3A_43 : vector<16xi32>
    %add3A_45 = arith.constant 2 : i32
    %add3A_46 = vector.broadcast %add3A_45 : i32 to vector<16xi32>
    %add3A_47 = arith.addi %iota3A, %add3A_46 : vector<16xi32>
    %and3A_48 = arith.constant 15 : i32
    %and3A_49 = vector.broadcast %and3A_48 : i32 to vector<16xi32>
    %and3A_50 = arith.andi %add3A_47, %and3A_49 : vector<16xi32>
    %add3A_51 = arith.constant 1 : i32
    %add3A_52 = vector.broadcast %add3A_51 : i32 to vector<16xi32>
    %add3A_53 = arith.addi %iota3A, %add3A_52 : vector<16xi32>
    %and3A_54 = arith.constant 15 : i32
    %and3A_55 = vector.broadcast %and3A_54 : i32 to vector<16xi32>
    %and3A_56 = arith.andi %add3A_53, %and3A_55 : vector<16xi32>
    %dma_start3A = arith.constant 0 : i32
    %dma_start3A_57 = tpu.memref_slice %arg7[%dma_start3A] : memref<10000xi32, #tpu.memory_space<vmem>> -> memref<80xi32, #tpu.memory_space<vmem>>
    %dma_start3A_58 = arith.constant 0 : i32
    %dma_start3A_59 = arith.constant 0 : i32
    %dma_start3A_60 = tpu.memref_slice %arg2[%dma_start3A_58, %dma_start3A_59] : memref<90000x128xf32, #tpu.memory_space<hbm>> -> memref<90000x128xf32, #tpu.memory_space<hbm>>
    tpu.enqueue_indirect_dma source(%dma_start3A_60 : memref<90000x128xf32, #tpu.memory_space<hbm>>) target(%arg10 : memref<80x128xf32, #tpu.memory_space<vmem>>) offsets(%dma_start3A_57 : memref<80xi32, #tpu.memory_space<vmem>>) semaphore(%arg15 : memref<!tpu.dma_semaphore, #tpu.memory_space<semaphore_mem>>)
    %dma_start3A_61 = arith.constant 0 : i32
    %dma_start3A_62 = tpu.memref_slice %arg8[%dma_start3A_61] : memref<10000xi32, #tpu.memory_space<vmem>> -> memref<80xi32, #tpu.memory_space<vmem>>
    %dma_start3A_63 = arith.constant 0 : i32
    %dma_start3A_64 = arith.constant 0 : i32
    %dma_start3A_65 = tpu.memref_slice %arg2[%dma_start3A_63, %dma_start3A_64] : memref<90000x128xf32, #tpu.memory_space<hbm>> -> memref<90000x128xf32, #tpu.memory_space<hbm>>
    tpu.enqueue_indirect_dma source(%dma_start3A_65 : memref<90000x128xf32, #tpu.memory_space<hbm>>) target(%arg11 : memref<80x128xf32, #tpu.memory_space<vmem>>) offsets(%dma_start3A_62 : memref<80xi32, #tpu.memory_space<vmem>>) semaphore(%arg15 : memref<!tpu.dma_semaphore, #tpu.memory_space<semaphore_mem>>)
    %dma_start3A_66 = arith.constant 80 : i32
    %dma_start3A_67 = tpu.memref_slice %arg7[%dma_start3A_66] : memref<10000xi32, #tpu.memory_space<vmem>> -> memref<80xi32, #tpu.memory_space<vmem>>
    %dma_start3A_68 = arith.constant 0 : i32
    %dma_start3A_69 = arith.constant 0 : i32
    %dma_start3A_70 = tpu.memref_slice %arg2[%dma_start3A_68, %dma_start3A_69] : memref<90000x128xf32, #tpu.memory_space<hbm>> -> memref<90000x128xf32, #tpu.memory_space<hbm>>
    tpu.enqueue_indirect_dma source(%dma_start3A_70 : memref<90000x128xf32, #tpu.memory_space<hbm>>) target(%arg12 : memref<80x128xf32, #tpu.memory_space<vmem>>) offsets(%dma_start3A_67 : memref<80xi32, #tpu.memory_space<vmem>>) semaphore(%arg16 : memref<!tpu.dma_semaphore, #tpu.memory_space<semaphore_mem>>)
    %dma_start3A_71 = arith.constant 80 : i32
    %dma_start3A_72 = tpu.memref_slice %arg8[%dma_start3A_71] : memref<10000xi32, #tpu.memory_space<vmem>> -> memref<80xi32, #tpu.memory_space<vmem>>
    %dma_start3A_73 = arith.constant 0 : i32
    %dma_start3A_74 = arith.constant 0 : i32
    %dma_start3A_75 = tpu.memref_slice %arg2[%dma_start3A_73, %dma_start3A_74] : memref<90000x128xf32, #tpu.memory_space<hbm>> -> memref<90000x128xf32, #tpu.memory_space<hbm>>
    tpu.enqueue_indirect_dma source(%dma_start3A_75 : memref<90000x128xf32, #tpu.memory_space<hbm>>) target(%arg13 : memref<80x128xf32, #tpu.memory_space<vmem>>) offsets(%dma_start3A_72 : memref<80xi32, #tpu.memory_space<vmem>>) semaphore(%arg16 : memref<!tpu.dma_semaphore, #tpu.memory_space<semaphore_mem>>)
    %scan3A_76 = arith.constant 0 : i32
    %scan3A_77 = arith.constant 0 : i32
    %scan3A_78 = arith.constant 62 : i32
    %scan3A_79 = arith.addi %scan3A_77, %scan3A_78 : i32
    %scan3A_80 = arith.constant 1 : i32
    scf.for %scan3A_97 = %scan3A_77 to %scan3A_79 step %scan3A_80  : i32 {
      %mul3A_98 = arith.constant 2 : i32
      %mul3A_99 = arith.muli %mul3A_98, %scan3A_97 : i32
      %mul3A_100 = arith.constant 80 : i32
      %mul3A_101 = arith.muli %mul3A_99, %mul3A_100 : i32
      %dma_wait3A_102 = tpu.memref_slice %arg7[%mul3A_101] : memref<10000xi32, #tpu.memory_space<vmem>> -> memref<80xi32, #tpu.memory_space<vmem>>
      %dma_wait3A_103 = arith.constant 0 : i32
      %dma_wait3A_104 = arith.constant 0 : i32
      %dma_wait3A_105 = tpu.memref_slice %arg2[%dma_wait3A_103, %dma_wait3A_104] : memref<90000x128xf32, #tpu.memory_space<hbm>> -> memref<90000x128xf32, #tpu.memory_space<hbm>>
      tpu.wait_indirect_dma semaphore(%arg15 : memref<!tpu.dma_semaphore, #tpu.memory_space<semaphore_mem>>) src(%dma_wait3A_105 : memref<90000x128xf32, #tpu.memory_space<hbm>>) dst(%arg10 : memref<80x128xf32, #tpu.memory_space<vmem>>)
      %dma_wait3A_106 = tpu.memref_slice %arg8[%mul3A_101] : memref<10000xi32, #tpu.memory_space<vmem>> -> memref<80xi32, #tpu.memory_space<vmem>>
      %dma_wait3A_107 = arith.constant 0 : i32
      %dma_wait3A_108 = arith.constant 0 : i32
      %dma_wait3A_109 = tpu.memref_slice %arg2[%dma_wait3A_107, %dma_wait3A_108] : memref<90000x128xf32, #tpu.memory_space<hbm>> -> memref<90000x128xf32, #tpu.memory_space<hbm>>
      tpu.wait_indirect_dma semaphore(%arg15 : memref<!tpu.dma_semaphore, #tpu.memory_space<semaphore_mem>>) src(%dma_wait3A_109 : memref<90000x128xf32, #tpu.memory_space<hbm>>) dst(%arg11 : memref<80x128xf32, #tpu.memory_space<vmem>>)
      %mul3A_110 = arith.constant 80 : i32
      %mul3A_111 = arith.muli %mul3A_99, %mul3A_110 : i32
      %scan3A_112 = arith.constant 0 : i32
      %scan3A_113 = arith.constant 0 : i32
      %scan3A_114 = arith.constant 5 : i32
      %scan3A_115 = arith.addi %scan3A_113, %scan3A_114 : i32
      %scan3A_116 = arith.constant 1 : i32
      scf.for %scan3A_154 = %scan3A_113 to %scan3A_115 step %scan3A_116  : i32 {
        %mul3A_155 = arith.constant 16 : i32
        %mul3A_156 = arith.muli %scan3A_154, %mul3A_155 : i32
        %broadcast_in_dim3A = arith.constant 0.000000e+00 : f32
        %broadcast_in_dim3A_157 = vector.broadcast %broadcast_in_dim3A : f32 to vector<16xf32>
        %scan3A_158 = arith.constant 0 : i32
        %scan3A_159 = arith.constant 16 : i32
        %scan3A_160 = arith.addi %scan3A_158, %scan3A_159 : i32
        %scan3A_161 = arith.constant 2 : i32
        %scan3A_162 = scf.for %scan3A_176 = %scan3A_158 to %scan3A_160 step %scan3A_161 iter_args(%scan3A_177 = %broadcast_in_dim3A_157) -> (vector<16xf32>)  : i32 {
          %add3A_178 = arith.addi %mul3A_156, %scan3A_176 : i32
          %get3A_179 = arith.index_cast %add3A_178 : i32 to index
          %get3A_180 = arith.constant 0 : index
          %get3A_181 = tpu.vector_load %arg10[%get3A_179, %get3A_180] {strides = array<i32>} : memref<80x128xf32, #tpu.memory_space<vmem>>, vector<1x16xf32>,
          %get3A_182 = vector.shape_cast %get3A_181 : vector<1x16xf32> to vector<16xf32>
          %get3A_183 = arith.index_cast %add3A_178 : i32 to index
          %get3A_184 = arith.constant 0 : index
          %get3A_185 = tpu.vector_load %arg11[%get3A_183, %get3A_184] {strides = array<i32>} : memref<80x128xf32, #tpu.memory_space<vmem>>, vector<1x16xf32>,
          %get3A_186 = vector.shape_cast %get3A_185 : vector<1x16xf32> to vector<16xf32>
          %mul3A_187 = arith.mulf %get3A_182, %get3A_186 : vector<16xf32>
          %get3A_188 = arith.index_cast %add3A_178 : i32 to index
          %get3A_189 = arith.constant 16 : index
          %get3A_190 = tpu.vector_load %arg10[%get3A_188, %get3A_189] {strides = array<i32>} : memref<80x128xf32, #tpu.memory_space<vmem>>, vector<1x16xf32>,
          %get3A_191 = vector.shape_cast %get3A_190 : vector<1x16xf32> to vector<16xf32>
          %get3A_192 = arith.index_cast %add3A_178 : i32 to index
          %get3A_193 = arith.constant 16 : index
          %get3A_194 = tpu.vector_load %arg11[%get3A_192, %get3A_193] {strides = array<i32>} : memref<80x128xf32, #tpu.memory_space<vmem>>, vector<1x16xf32>,
          %get3A_195 = vector.shape_cast %get3A_194 : vector<1x16xf32> to vector<16xf32>
          %mul3A_196 = arith.mulf %get3A_191, %get3A_195 : vector<16xf32>
          %add3A_197 = arith.addf %mul3A_187, %mul3A_196 : vector<16xf32>
          %get3A_198 = arith.index_cast %add3A_178 : i32 to index
          %get3A_199 = arith.constant 32 : index
          %get3A_200 = tpu.vector_load %arg10[%get3A_198, %get3A_199] {strides = array<i32>} : memref<80x128xf32, #tpu.memory_space<vmem>>, vector<1x16xf32>,
          %get3A_201 = vector.shape_cast %get3A_200 : vector<1x16xf32> to vector<16xf32>
          %get3A_202 = arith.index_cast %add3A_178 : i32 to index
          %get3A_203 = arith.constant 32 : index
          %get3A_204 = tpu.vector_load %arg11[%get3A_202, %get3A_203] {strides = array<i32>} : memref<80x128xf32, #tpu.memory_space<vmem>>, vector<1x16xf32>,
          %get3A_205 = vector.shape_cast %get3A_204 : vector<1x16xf32> to vector<16xf32>
          %mul3A_206 = arith.mulf %get3A_201, %get3A_205 : vector<16xf32>
          %add3A_207 = arith.addf %add3A_197, %mul3A_206 : vector<16xf32>
          %get3A_208 = arith.index_cast %add3A_178 : i32 to index
          %get3A_209 = arith.constant 48 : index
          %get3A_210 = tpu.vector_load %arg10[%get3A_208, %get3A_209] {strides = array<i32>} : memref<80x128xf32, #tpu.memory_space<vmem>>, vector<1x16xf32>,
          %get3A_211 = vector.shape_cast %get3A_210 : vector<1x16xf32> to vector<16xf32>
          %get3A_212 = arith.index_cast %add3A_178 : i32 to index
          %get3A_213 = arith.constant 48 : index
          %get3A_214 = tpu.vector_load %arg11[%get3A_212, %get3A_213] {strides = array<i32>} : memref<80x128xf32, #tpu.memory_space<vmem>>, vector<1x16xf32>,
          %get3A_215 = vector.shape_cast %get3A_214 : vector<1x16xf32> to vector<16xf32>
          %mul3A_216 = arith.mulf %get3A_211, %get3A_215 : vector<16xf32>
          %add3A_217 = arith.addf %add3A_207, %mul3A_216 : vector<16xf32>
          %get3A_218 = arith.index_cast %add3A_178 : i32 to index
          %get3A_219 = arith.constant 64 : index
          %get3A_220 = tpu.vector_load %arg10[%get3A_218, %get3A_219] {strides = array<i32>} : memref<80x128xf32, #tpu.memory_space<vmem>>, vector<1x16xf32>,
          %get3A_221 = vector.shape_cast %get3A_220 : vector<1x16xf32> to vector<16xf32>
          %get3A_222 = arith.index_cast %add3A_178 : i32 to index
          %get3A_223 = arith.constant 64 : index
          %get3A_224 = tpu.vector_load %arg11[%get3A_222, %get3A_223] {strides = array<i32>} : memref<80x128xf32, #tpu.memory_space<vmem>>, vector<1x16xf32>,
          %get3A_225 = vector.shape_cast %get3A_224 : vector<1x16xf32> to vector<16xf32>
          %mul3A_226 = arith.mulf %get3A_221, %get3A_225 : vector<16xf32>
          %add3A_227 = arith.addf %add3A_217, %mul3A_226 : vector<16xf32>
          %get3A_228 = arith.index_cast %add3A_178 : i32 to index
          %get3A_229 = arith.constant 80 : index
          %get3A_230 = tpu.vector_load %arg10[%get3A_228, %get3A_229] {strides = array<i32>} : memref<80x128xf32, #tpu.memory_space<vmem>>, vector<1x16xf32>,
          %get3A_231 = vector.shape_cast %get3A_230 : vector<1x16xf32> to vector<16xf32>
          %get3A_232 = arith.index_cast %add3A_178 : i32 to index
          %get3A_233 = arith.constant 80 : index
          %get3A_234 = tpu.vector_load %arg11[%get3A_232, %get3A_233] {strides = array<i32>} : memref<80x128xf32, #tpu.memory_space<vmem>>, vector<1x16xf32>,
          %get3A_235 = vector.shape_cast %get3A_234 : vector<1x16xf32> to vector<16xf32>
          %mul3A_236 = arith.mulf %get3A_231, %get3A_235 : vector<16xf32>
          %add3A_237 = arith.addf %add3A_227, %mul3A_236 : vector<16xf32>
          %get3A_238 = arith.index_cast %add3A_178 : i32 to index
          %get3A_239 = arith.constant 96 : index
          %get3A_240 = tpu.vector_load %arg10[%get3A_238, %get3A_239] {strides = array<i32>} : memref<80x128xf32, #tpu.memory_space<vmem>>, vector<1x16xf32>,
          %get3A_241 = vector.shape_cast %get3A_240 : vector<1x16xf32> to vector<16xf32>
          %get3A_242 = arith.index_cast %add3A_178 : i32 to index
          %get3A_243 = arith.constant 96 : index
          %get3A_244 = tpu.vector_load %arg11[%get3A_242, %get3A_243] {strides = array<i32>} : memref<80x128xf32, #tpu.memory_space<vmem>>, vector<1x16xf32>,
          %get3A_245 = vector.shape_cast %get3A_244 : vector<1x16xf32> to vector<16xf32>
          %mul3A_246 = arith.mulf %get3A_241, %get3A_245 : vector<16xf32>
          %add3A_247 = arith.addf %add3A_237, %mul3A_246 : vector<16xf32>
          %get3A_248 = arith.index_cast %add3A_178 : i32 to index
          %get3A_249 = arith.constant 112 : index
          %get3A_250 = tpu.vector_load %arg10[%get3A_248, %get3A_249] {strides = array<i32>} : memref<80x128xf32, #tpu.memory_space<vmem>>, vector<1x16xf32>,
          %get3A_251 = vector.shape_cast %get3A_250 : vector<1x16xf32> to vector<16xf32>
          %get3A_252 = arith.index_cast %add3A_178 : i32 to index
          %get3A_253 = arith.constant 112 : index
          %get3A_254 = tpu.vector_load %arg11[%get3A_252, %get3A_253] {strides = array<i32>} : memref<80x128xf32, #tpu.memory_space<vmem>>, vector<1x16xf32>,
          %get3A_255 = vector.shape_cast %get3A_254 : vector<1x16xf32> to vector<16xf32>
          %mul3A_256 = arith.mulf %get3A_251, %get3A_255 : vector<16xf32>
          %add3A_257 = arith.addf %add3A_247, %mul3A_256 : vector<16xf32>
          %broadcast_in_dim3A_258 = vector.shape_cast %and3A_38 : vector<16xi32> to vector<16x1xi32>
          %gather3A = vector.shape_cast %broadcast_in_dim3A_258 : vector<16x1xi32> to vector<16xi32>
          %gather3A_259 = tpu.dynamic_gather %add3A_257[%gather3A] in [0] : vector<16xf32>, vector<16xi32> -> vector<16xf32>
          %add3A_260 = arith.addf %add3A_257, %gather3A_259 : vector<16xf32>
          %broadcast_in_dim3A_261 = vector.shape_cast %and3A_44 : vector<16xi32> to vector<16x1xi32>
          %gather3A_262 = vector.shape_cast %broadcast_in_dim3A_261 : vector<16x1xi32> to vector<16xi32>
          %gather3A_263 = tpu.dynamic_gather %add3A_260[%gather3A_262] in [0] : vector<16xf32>, vector<16xi32> -> vector<16xf32>
          %add3A_264 = arith.addf %add3A_260, %gather3A_263 : vector<16xf32>
          %broadcast_in_dim3A_265 = vector.shape_cast %and3A_50 : vector<16xi32> to vector<16x1xi32>
          %gather3A_266 = vector.shape_cast %broadcast_in_dim3A_265 : vector<16x1xi32> to vector<16xi32>
          %gather3A_267 = tpu.dynamic_gather %add3A_264[%gather3A_266] in [0] : vector<16xf32>, vector<16xi32> -> vector<16xf32>
          %add3A_268 = arith.addf %add3A_264, %gather3A_267 : vector<16xf32>
          %broadcast_in_dim3A_269 = vector.shape_cast %and3A_56 : vector<16xi32> to vector<16x1xi32>
          %gather3A_270 = vector.shape_cast %broadcast_in_dim3A_269 : vector<16x1xi32> to vector<16xi32>
          %gather3A_271 = tpu.dynamic_gather %add3A_268[%gather3A_270] in [0] : vector<16xf32>, vector<16xi32> -> vector<16xf32>
          %add3A_272 = arith.addf %add3A_268, %gather3A_271 : vector<16xf32>
          %eq3A = vector.broadcast %scan3A_176 : i32 to vector<16xi32>
          %eq3A_273 = arith.cmpi eq, %iota3A, %eq3A : vector<16xi32>
          %select_n3A = arith.select %eq3A_273, %add3A_272, %scan3A_177 : vector<16xi1>, vector<16xf32>
          %scan3A_274 = arith.constant 1 : i32
          %scan3A_275 = arith.addi %scan3A_176, %scan3A_274 : i32
          %add3A_276 = arith.addi %mul3A_156, %scan3A_275 : i32
          %get3A_277 = arith.index_cast %add3A_276 : i32 to index
          %get3A_278 = arith.constant 0 : index
          %get3A_279 = tpu.vector_load %arg10[%get3A_277, %get3A_278] {strides = array<i32>} : memref<80x128xf32, #tpu.memory_space<vmem>>, vector<1x16xf32>,
          %get3A_280 = vector.shape_cast %get3A_279 : vector<1x16xf32> to vector<16xf32>
          %get3A_281 = arith.index_cast %add3A_276 : i32 to index
          %get3A_282 = arith.constant 0 : index
          %get3A_283 = tpu.vector_load %arg11[%get3A_281, %get3A_282] {strides = array<i32>} : memref<80x128xf32, #tpu.memory_space<vmem>>, vector<1x16xf32>,
          %get3A_284 = vector.shape_cast %get3A_283 : vector<1x16xf32> to vector<16xf32>
          %mul3A_285 = arith.mulf %get3A_280, %get3A_284 : vector<16xf32>
          %get3A_286 = arith.index_cast %add3A_276 : i32 to index
          %get3A_287 = arith.constant 16 : index
          %get3A_288 = tpu.vector_load %arg10[%get3A_286, %get3A_287] {strides = array<i32>} : memref<80x128xf32, #tpu.memory_space<vmem>>, vector<1x16xf32>,
          %get3A_289 = vector.shape_cast %get3A_288 : vector<1x16xf32> to vector<16xf32>
          %get3A_290 = arith.index_cast %add3A_276 : i32 to index
          %get3A_291 = arith.constant 16 : index
          %get3A_292 = tpu.vector_load %arg11[%get3A_290, %get3A_291] {strides = array<i32>} : memref<80x128xf32, #tpu.memory_space<vmem>>, vector<1x16xf32>,
          %get3A_293 = vector.shape_cast %get3A_292 : vector<1x16xf32> to vector<16xf32>
          %mul3A_294 = arith.mulf %get3A_289, %get3A_293 : vector<16xf32>
          %add3A_295 = arith.addf %mul3A_285, %mul3A_294 : vector<16xf32>
          %get3A_296 = arith.index_cast %add3A_276 : i32 to index
          %get3A_297 = arith.constant 32 : index
          %get3A_298 = tpu.vector_load %arg10[%get3A_296, %get3A_297] {strides = array<i32>} : memref<80x128xf32, #tpu.memory_space<vmem>>, vector<1x16xf32>,
          %get3A_299 = vector.shape_cast %get3A_298 : vector<1x16xf32> to vector<16xf32>
          %get3A_300 = arith.index_cast %add3A_276 : i32 to index
          %get3A_301 = arith.constant 32 : index
          %get3A_302 = tpu.vector_load %arg11[%get3A_300, %get3A_301] {strides = array<i32>} : memref<80x128xf32, #tpu.memory_space<vmem>>, vector<1x16xf32>,
          %get3A_303 = vector.shape_cast %get3A_302 : vector<1x16xf32> to vector<16xf32>
          %mul3A_304 = arith.mulf %get3A_299, %get3A_303 : vector<16xf32>
          %add3A_305 = arith.addf %add3A_295, %mul3A_304 : vector<16xf32>
          %get3A_306 = arith.index_cast %add3A_276 : i32 to index
          %get3A_307 = arith.constant 48 : index
          %get3A_308 = tpu.vector_load %arg10[%get3A_306, %get3A_307] {strides = array<i32>} : memref<80x128xf32, #tpu.memory_space<vmem>>, vector<1x16xf32>,
          %get3A_309 = vector.shape_cast %get3A_308 : vector<1x16xf32> to vector<16xf32>
          %get3A_310 = arith.index_cast %add3A_276 : i32 to index
          %get3A_311 = arith.constant 48 : index
          %get3A_312 = tpu.vector_load %arg11[%get3A_310, %get3A_311] {strides = array<i32>} : memref<80x128xf32, #tpu.memory_space<vmem>>, vector<1x16xf32>,
          %get3A_313 = vector.shape_cast %get3A_312 : vector<1x16xf32> to vector<16xf32>
          %mul3A_314 = arith.mulf %get3A_309, %get3A_313 : vector<16xf32>
          %add3A_315 = arith.addf %add3A_305, %mul3A_314 : vector<16xf32>
          %get3A_316 = arith.index_cast %add3A_276 : i32 to index
          %get3A_317 = arith.constant 64 : index
          %get3A_318 = tpu.vector_load %arg10[%get3A_316, %get3A_317] {strides = array<i32>} : memref<80x128xf32, #tpu.memory_space<vmem>>, vector<1x16xf32>,
          %get3A_319 = vector.shape_cast %get3A_318 : vector<1x16xf32> to vector<16xf32>
          %get3A_320 = arith.index_cast %add3A_276 : i32 to index
          %get3A_321 = arith.constant 64 : index
          %get3A_322 = tpu.vector_load %arg11[%get3A_320, %get3A_321] {strides = array<i32>} : memref<80x128xf32, #tpu.memory_space<vmem>>, vector<1x16xf32>,
          %get3A_323 = vector.shape_cast %get3A_322 : vector<1x16xf32> to vector<16xf32>
          %mul3A_324 = arith.mulf %get3A_319, %get3A_323 : vector<16xf32>
          %add3A_325 = arith.addf %add3A_315, %mul3A_324 : vector<16xf32>
          %get3A_326 = arith.index_cast %add3A_276 : i32 to index
          %get3A_327 = arith.constant 80 : index
          %get3A_328 = tpu.vector_load %arg10[%get3A_326, %get3A_327] {strides = array<i32>} : memref<80x128xf32, #tpu.memory_space<vmem>>, vector<1x16xf32>,
          %get3A_329 = vector.shape_cast %get3A_328 : vector<1x16xf32> to vector<16xf32>
          %get3A_330 = arith.index_cast %add3A_276 : i32 to index
          %get3A_331 = arith.constant 80 : index
          %get3A_332 = tpu.vector_load %arg11[%get3A_330, %get3A_331] {strides = array<i32>} : memref<80x128xf32, #tpu.memory_space<vmem>>, vector<1x16xf32>,
          %get3A_333 = vector.shape_cast %get3A_332 : vector<1x16xf32> to vector<16xf32>
          %mul3A_334 = arith.mulf %get3A_329, %get3A_333 : vector<16xf32>
          %add3A_335 = arith.addf %add3A_325, %mul3A_334 : vector<16xf32>
          %get3A_336 = arith.index_cast %add3A_276 : i32 to index
          %get3A_337 = arith.constant 96 : index
          %get3A_338 = tpu.vector_load %arg10[%get3A_336, %get3A_337] {strides = array<i32>} : memref<80x128xf32, #tpu.memory_space<vmem>>, vector<1x16xf32>,
          %get3A_339 = vector.shape_cast %get3A_338 : vector<1x16xf32> to vector<16xf32>
          %get3A_340 = arith.index_cast %add3A_276 : i32 to index
          %get3A_341 = arith.constant 96 : index
          %get3A_342 = tpu.vector_load %arg11[%get3A_340, %get3A_341] {strides = array<i32>} : memref<80x128xf32, #tpu.memory_space<vmem>>, vector<1x16xf32>,
          %get3A_343 = vector.shape_cast %get3A_342 : vector<1x16xf32> to vector<16xf32>
          %mul3A_344 = arith.mulf %get3A_339, %get3A_343 : vector<16xf32>
          %add3A_345 = arith.addf %add3A_335, %mul3A_344 : vector<16xf32>
          %get3A_346 = arith.index_cast %add3A_276 : i32 to index
          %get3A_347 = arith.constant 112 : index
          %get3A_348 = tpu.vector_load %arg10[%get3A_346, %get3A_347] {strides = array<i32>} : memref<80x128xf32, #tpu.memory_space<vmem>>, vector<1x16xf32>,
          %get3A_349 = vector.shape_cast %get3A_348 : vector<1x16xf32> to vector<16xf32>
          %get3A_350 = arith.index_cast %add3A_276 : i32 to index
          %get3A_351 = arith.constant 112 : index
          %get3A_352 = tpu.vector_load %arg11[%get3A_350, %get3A_351] {strides = array<i32>} : memref<80x128xf32, #tpu.memory_space<vmem>>, vector<1x16xf32>,
          %get3A_353 = vector.shape_cast %get3A_352 : vector<1x16xf32> to vector<16xf32>
          %mul3A_354 = arith.mulf %get3A_349, %get3A_353 : vector<16xf32>
          %add3A_355 = arith.addf %add3A_345, %mul3A_354 : vector<16xf32>
          %broadcast_in_dim3A_356 = vector.shape_cast %and3A_38 : vector<16xi32> to vector<16x1xi32>
          %gather3A_357 = vector.shape_cast %broadcast_in_dim3A_356 : vector<16x1xi32> to vector<16xi32>
          %gather3A_358 = tpu.dynamic_gather %add3A_355[%gather3A_357] in [0] : vector<16xf32>, vector<16xi32> -> vector<16xf32>
          %add3A_359 = arith.addf %add3A_355, %gather3A_358 : vector<16xf32>
          %broadcast_in_dim3A_360 = vector.shape_cast %and3A_44 : vector<16xi32> to vector<16x1xi32>
          %gather3A_361 = vector.shape_cast %broadcast_in_dim3A_360 : vector<16x1xi32> to vector<16xi32>
          %gather3A_362 = tpu.dynamic_gather %add3A_359[%gather3A_361] in [0] : vector<16xf32>, vector<16xi32> -> vector<16xf32>
          %add3A_363 = arith.addf %add3A_359, %gather3A_362 : vector<16xf32>
          %broadcast_in_dim3A_364 = vector.shape_cast %and3A_50 : vector<16xi32> to vector<16x1xi32>
          %gather3A_365 = vector.shape_cast %broadcast_in_dim3A_364 : vector<16x1xi32> to vector<16xi32>
          %gather3A_366 = tpu.dynamic_gather %add3A_363[%gather3A_365] in [0] : vector<16xf32>, vector<16xi32> -> vector<16xf32>
          %add3A_367 = arith.addf %add3A_363, %gather3A_366 : vector<16xf32>
          %broadcast_in_dim3A_368 = vector.shape_cast %and3A_56 : vector<16xi32> to vector<16x1xi32>
          %gather3A_369 = vector.shape_cast %broadcast_in_dim3A_368 : vector<16x1xi32> to vector<16xi32>
          %gather3A_370 = tpu.dynamic_gather %add3A_367[%gather3A_369] in [0] : vector<16xf32>, vector<16xi32> -> vector<16xf32>
          %add3A_371 = arith.addf %add3A_367, %gather3A_370 : vector<16xf32>
          %eq3A_372 = vector.broadcast %scan3A_275 : i32 to vector<16xi32>
          %eq3A_373 = arith.cmpi eq, %iota3A, %eq3A_372 : vector<16xi32>
          %select_n3A_374 = arith.select %eq3A_373, %add3A_371, %select_n3A : vector<16xi1>, vector<16xf32>
          scf.yield %select_n3A_374 : vector<16xf32>
        }
        %scan3A_163 = arith.constant 16 : i32
        %neg3A = arith.constant 0.000000e+00 : f32
        %neg3A_164 = vector.broadcast %neg3A : f32 to vector<16xf32>
        %neg3A_165 = arith.subf %neg3A_164, %scan3A_162 : vector<16xf32>
        %exp3A = math.exp %neg3A_165 : vector<16xf32>
        %add3A_166 = arith.constant 1.000000e+00 : f32
        %add3A_167 = vector.broadcast %add3A_166 : f32 to vector<16xf32>
        %add3A_168 = arith.addf %add3A_167, %exp3A : vector<16xf32>
        %div3A = arith.constant 1.000000e+00 : f32
        %div3A_169 = vector.broadcast %div3A : f32 to vector<16xf32>
        %div3A_170 = arith.divf %div3A_169, %add3A_168 : vector<16xf32>
        %add3A_171 = arith.addi %mul3A_111, %mul3A_156 : i32
        %swap3A_172 = arith.index_cast %add3A_171 : i32 to index
        %swap3A_173 = tpu.vector_load %arg14[%swap3A_172] {strides = array<i32>} : memref<10000xf32, #tpu.memory_space<vmem>>, vector<16xf32>,
        %swap3A_174 = vector.shape_cast %swap3A_173 : vector<16xf32> to vector<16xf32>
        %swap3A_175 = vector.shape_cast %div3A_170 : vector<16xf32> to vector<16xf32>
        tpu.vector_store %arg14[%swap3A_172], %swap3A_175 {strides = array<i32>} : memref<10000xf32, #tpu.memory_space<vmem>>, vector<16xf32>,
      }
      %scan3A_117 = arith.constant 5 : i32
      %add3A_118 = arith.constant 2 : i32
      %add3A_119 = arith.addi %mul3A_99, %add3A_118 : i32
      %mul3A_120 = arith.constant 80 : i32
      %mul3A_121 = arith.muli %add3A_119, %mul3A_120 : i32
      %dma_start3A_122 = tpu.memref_slice %arg7[%mul3A_121] : memref<10000xi32, #tpu.memory_space<vmem>> -> memref<80xi32, #tpu.memory_space<vmem>>
      %dma_start3A_123 = arith.constant 0 : i32
      %dma_start3A_124 = arith.constant 0 : i32
      %dma_start3A_125 = tpu.memref_slice %arg2[%dma_start3A_123, %dma_start3A_124] : memref<90000x128xf32, #tpu.memory_space<hbm>> -> memref<90000x128xf32, #tpu.memory_space<hbm>>
      tpu.enqueue_indirect_dma source(%dma_start3A_125 : memref<90000x128xf32, #tpu.memory_space<hbm>>) target(%arg10 : memref<80x128xf32, #tpu.memory_space<vmem>>) offsets(%dma_start3A_122 : memref<80xi32, #tpu.memory_space<vmem>>) semaphore(%arg15 : memref<!tpu.dma_semaphore, #tpu.memory_space<semaphore_mem>>)
      %dma_start3A_126 = tpu.memref_slice %arg8[%mul3A_121] : memref<10000xi32, #tpu.memory_space<vmem>> -> memref<80xi32, #tpu.memory_space<vmem>>
      %dma_start3A_127 = arith.constant 0 : i32
      %dma_start3A_128 = arith.constant 0 : i32
      %dma_start3A_129 = tpu.memref_slice %arg2[%dma_start3A_127, %dma_start3A_128] : memref<90000x128xf32, #tpu.memory_space<hbm>> -> memref<90000x128xf32, #tpu.memory_space<hbm>>
      tpu.enqueue_indirect_dma source(%dma_start3A_129 : memref<90000x128xf32, #tpu.memory_space<hbm>>) target(%arg11 : memref<80x128xf32, #tpu.memory_space<vmem>>) offsets(%dma_start3A_126 : memref<80xi32, #tpu.memory_space<vmem>>) semaphore(%arg15 : memref<!tpu.dma_semaphore, #tpu.memory_space<semaphore_mem>>)
      %add3A_130 = arith.constant 1 : i32
      %add3A_131 = arith.addi %mul3A_99, %add3A_130 : i32
      %mul3A_132 = arith.constant 80 : i32
      %mul3A_133 = arith.muli %add3A_131, %mul3A_132 : i32
      %dma_wait3A_134 = tpu.memref_slice %arg7[%mul3A_133] : memref<10000xi32, #tpu.memory_space<vmem>> -> memref<80xi32, #tpu.memory_space<vmem>>
      %dma_wait3A_135 = arith.constant 0 : i32
      %dma_wait3A_136 = arith.constant 0 : i32
      %dma_wait3A_137 = tpu.memref_slice %arg2[%dma_wait3A_135, %dma_wait3A_136] : memref<90000x128xf32, #tpu.memory_space<hbm>> -> memref<90000x128xf32, #tpu.memory_space<hbm>>
      tpu.wait_indirect_dma semaphore(%arg16 : memref<!tpu.dma_semaphore, #tpu.memory_space<semaphore_mem>>) src(%dma_wait3A_137 : memref<90000x128xf32, #tpu.memory_space<hbm>>) dst(%arg12 : memref<80x128xf32, #tpu.memory_space<vmem>>)
      %dma_wait3A_138 = tpu.memref_slice %arg8[%mul3A_133] : memref<10000xi32, #tpu.memory_space<vmem>> -> memref<80xi32, #tpu.memory_space<vmem>>
      %dma_wait3A_139 = arith.constant 0 : i32
      %dma_wait3A_140 = arith.constant 0 : i32
      %dma_wait3A_141 = tpu.memref_slice %arg2[%dma_wait3A_139, %dma_wait3A_140] : memref<90000x128xf32, #tpu.memory_space<hbm>> -> memref<90000x128xf32, #tpu.memory_space<hbm>>
      tpu.wait_indirect_dma semaphore(%arg16 : memref<!tpu.dma_semaphore, #tpu.memory_space<semaphore_mem>>) src(%dma_wait3A_141 : memref<90000x128xf32, #tpu.memory_space<hbm>>) dst(%arg13 : memref<80x128xf32, #tpu.memory_space<vmem>>)
      %mul3A_142 = arith.constant 80 : i32
      %mul3A_143 = arith.muli %add3A_131, %mul3A_142 : i32
      %scan3A_144 = arith.constant 0 : i32
      %scan3A_145 = arith.constant 0 : i32
      %scan3A_146 = arith.constant 5 : i32
      %scan3A_147 = arith.addi %scan3A_145, %scan3A_146 : i32
      %scan3A_148 = arith.constant 1 : i32
      scf.for %scan3A_154 = %scan3A_145 to %scan3A_147 step %scan3A_148  : i32 {
        %mul3A_155 = arith.constant 16 : i32
        %mul3A_156 = arith.muli %scan3A_154, %mul3A_155 : i32
        %broadcast_in_dim3A = arith.constant 0.000000e+00 : f32
        %broadcast_in_dim3A_157 = vector.broadcast %broadcast_in_dim3A : f32 to vector<16xf32>
        %scan3A_158 = arith.constant 0 : i32
        %scan3A_159 = arith.constant 16 : i32
        %scan3A_160 = arith.addi %scan3A_158, %scan3A_159 : i32
        %scan3A_161 = arith.constant 2 : i32
        %scan3A_162 = scf.for %scan3A_176 = %scan3A_158 to %scan3A_160 step %scan3A_161 iter_args(%scan3A_177 = %broadcast_in_dim3A_157) -> (vector<16xf32>)  : i32 {
          %add3A_178 = arith.addi %mul3A_156, %scan3A_176 : i32
          %get3A_179 = arith.index_cast %add3A_178 : i32 to index
          %get3A_180 = arith.constant 0 : index
          %get3A_181 = tpu.vector_load %arg12[%get3A_179, %get3A_180] {strides = array<i32>} : memref<80x128xf32, #tpu.memory_space<vmem>>, vector<1x16xf32>,
          %get3A_182 = vector.shape_cast %get3A_181 : vector<1x16xf32> to vector<16xf32>
          %get3A_183 = arith.index_cast %add3A_178 : i32 to index
          %get3A_184 = arith.constant 0 : index
          %get3A_185 = tpu.vector_load %arg13[%get3A_183, %get3A_184] {strides = array<i32>} : memref<80x128xf32, #tpu.memory_space<vmem>>, vector<1x16xf32>,
          %get3A_186 = vector.shape_cast %get3A_185 : vector<1x16xf32> to vector<16xf32>
          %mul3A_187 = arith.mulf %get3A_182, %get3A_186 : vector<16xf32>
          %get3A_188 = arith.index_cast %add3A_178 : i32 to index
          %get3A_189 = arith.constant 16 : index
          %get3A_190 = tpu.vector_load %arg12[%get3A_188, %get3A_189] {strides = array<i32>} : memref<80x128xf32, #tpu.memory_space<vmem>>, vector<1x16xf32>,
          %get3A_191 = vector.shape_cast %get3A_190 : vector<1x16xf32> to vector<16xf32>
          %get3A_192 = arith.index_cast %add3A_178 : i32 to index
          %get3A_193 = arith.constant 16 : index
          %get3A_194 = tpu.vector_load %arg13[%get3A_192, %get3A_193] {strides = array<i32>} : memref<80x128xf32, #tpu.memory_space<vmem>>, vector<1x16xf32>,
          %get3A_195 = vector.shape_cast %get3A_194 : vector<1x16xf32> to vector<16xf32>
          %mul3A_196 = arith.mulf %get3A_191, %get3A_195 : vector<16xf32>
          %add3A_197 = arith.addf %mul3A_187, %mul3A_196 : vector<16xf32>
          %get3A_198 = arith.index_cast %add3A_178 : i32 to index
          %get3A_199 = arith.constant 32 : index
          %get3A_200 = tpu.vector_load %arg12[%get3A_198, %get3A_199] {strides = array<i32>} : memref<80x128xf32, #tpu.memory_space<vmem>>, vector<1x16xf32>,
          %get3A_201 = vector.shape_cast %get3A_200 : vector<1x16xf32> to vector<16xf32>
          %get3A_202 = arith.index_cast %add3A_178 : i32 to index
          %get3A_203 = arith.constant 32 : index
          %get3A_204 = tpu.vector_load %arg13[%get3A_202, %get3A_203] {strides = array<i32>} : memref<80x128xf32, #tpu.memory_space<vmem>>, vector<1x16xf32>,
          %get3A_205 = vector.shape_cast %get3A_204 : vector<1x16xf32> to vector<16xf32>
          %mul3A_206 = arith.mulf %get3A_201, %get3A_205 : vector<16xf32>
          %add3A_207 = arith.addf %add3A_197, %mul3A_206 : vector<16xf32>
          %get3A_208 = arith.index_cast %add3A_178 : i32 to index
          %get3A_209 = arith.constant 48 : index
          %get3A_210 = tpu.vector_load %arg12[%get3A_208, %get3A_209] {strides = array<i32>} : memref<80x128xf32, #tpu.memory_space<vmem>>, vector<1x16xf32>,
          %get3A_211 = vector.shape_cast %get3A_210 : vector<1x16xf32> to vector<16xf32>
          %get3A_212 = arith.index_cast %add3A_178 : i32 to index
          %get3A_213 = arith.constant 48 : index
          %get3A_214 = tpu.vector_load %arg13[%get3A_212, %get3A_213] {strides = array<i32>} : memref<80x128xf32, #tpu.memory_space<vmem>>, vector<1x16xf32>,
          %get3A_215 = vector.shape_cast %get3A_214 : vector<1x16xf32> to vector<16xf32>
          %mul3A_216 = arith.mulf %get3A_211, %get3A_215 : vector<16xf32>
          %add3A_217 = arith.addf %add3A_207, %mul3A_216 : vector<16xf32>
          %get3A_218 = arith.index_cast %add3A_178 : i32 to index
          %get3A_219 = arith.constant 64 : index
          %get3A_220 = tpu.vector_load %arg12[%get3A_218, %get3A_219] {strides = array<i32>} : memref<80x128xf32, #tpu.memory_space<vmem>>, vector<1x16xf32>,
          %get3A_221 = vector.shape_cast %get3A_220 : vector<1x16xf32> to vector<16xf32>
          %get3A_222 = arith.index_cast %add3A_178 : i32 to index
          %get3A_223 = arith.constant 64 : index
          %get3A_224 = tpu.vector_load %arg13[%get3A_222, %get3A_223] {strides = array<i32>} : memref<80x128xf32, #tpu.memory_space<vmem>>, vector<1x16xf32>,
          %get3A_225 = vector.shape_cast %get3A_224 : vector<1x16xf32> to vector<16xf32>
          %mul3A_226 = arith.mulf %get3A_221, %get3A_225 : vector<16xf32>
          %add3A_227 = arith.addf %add3A_217, %mul3A_226 : vector<16xf32>
          %get3A_228 = arith.index_cast %add3A_178 : i32 to index
          %get3A_229 = arith.constant 80 : index
          %get3A_230 = tpu.vector_load %arg12[%get3A_228, %get3A_229] {strides = array<i32>} : memref<80x128xf32, #tpu.memory_space<vmem>>, vector<1x16xf32>,
          %get3A_231 = vector.shape_cast %get3A_230 : vector<1x16xf32> to vector<16xf32>
          %get3A_232 = arith.index_cast %add3A_178 : i32 to index
          %get3A_233 = arith.constant 80 : index
          %get3A_234 = tpu.vector_load %arg13[%get3A_232, %get3A_233] {strides = array<i32>} : memref<80x128xf32, #tpu.memory_space<vmem>>, vector<1x16xf32>,
          %get3A_235 = vector.shape_cast %get3A_234 : vector<1x16xf32> to vector<16xf32>
          %mul3A_236 = arith.mulf %get3A_231, %get3A_235 : vector<16xf32>
          %add3A_237 = arith.addf %add3A_227, %mul3A_236 : vector<16xf32>
          %get3A_238 = arith.index_cast %add3A_178 : i32 to index
          %get3A_239 = arith.constant 96 : index
          %get3A_240 = tpu.vector_load %arg12[%get3A_238, %get3A_239] {strides = array<i32>} : memref<80x128xf32, #tpu.memory_space<vmem>>, vector<1x16xf32>,
          %get3A_241 = vector.shape_cast %get3A_240 : vector<1x16xf32> to vector<16xf32>
          %get3A_242 = arith.index_cast %add3A_178 : i32 to index
          %get3A_243 = arith.constant 96 : index
          %get3A_244 = tpu.vector_load %arg13[%get3A_242, %get3A_243] {strides = array<i32>} : memref<80x128xf32, #tpu.memory_space<vmem>>, vector<1x16xf32>,
          %get3A_245 = vector.shape_cast %get3A_244 : vector<1x16xf32> to vector<16xf32>
          %mul3A_246 = arith.mulf %get3A_241, %get3A_245 : vector<16xf32>
          %add3A_247 = arith.addf %add3A_237, %mul3A_246 : vector<16xf32>
          %get3A_248 = arith.index_cast %add3A_178 : i32 to index
          %get3A_249 = arith.constant 112 : index
          %get3A_250 = tpu.vector_load %arg12[%get3A_248, %get3A_249] {strides = array<i32>} : memref<80x128xf32, #tpu.memory_space<vmem>>, vector<1x16xf32>,
          %get3A_251 = vector.shape_cast %get3A_250 : vector<1x16xf32> to vector<16xf32>
          %get3A_252 = arith.index_cast %add3A_178 : i32 to index
          %get3A_253 = arith.constant 112 : index
          %get3A_254 = tpu.vector_load %arg13[%get3A_252, %get3A_253] {strides = array<i32>} : memref<80x128xf32, #tpu.memory_space<vmem>>, vector<1x16xf32>,
          %get3A_255 = vector.shape_cast %get3A_254 : vector<1x16xf32> to vector<16xf32>
          %mul3A_256 = arith.mulf %get3A_251, %get3A_255 : vector<16xf32>
          %add3A_257 = arith.addf %add3A_247, %mul3A_256 : vector<16xf32>
          %broadcast_in_dim3A_258 = vector.shape_cast %and3A_38 : vector<16xi32> to vector<16x1xi32>
          %gather3A = vector.shape_cast %broadcast_in_dim3A_258 : vector<16x1xi32> to vector<16xi32>
          %gather3A_259 = tpu.dynamic_gather %add3A_257[%gather3A] in [0] : vector<16xf32>, vector<16xi32> -> vector<16xf32>
          %add3A_260 = arith.addf %add3A_257, %gather3A_259 : vector<16xf32>
          %broadcast_in_dim3A_261 = vector.shape_cast %and3A_44 : vector<16xi32> to vector<16x1xi32>
          %gather3A_262 = vector.shape_cast %broadcast_in_dim3A_261 : vector<16x1xi32> to vector<16xi32>
          %gather3A_263 = tpu.dynamic_gather %add3A_260[%gather3A_262] in [0] : vector<16xf32>, vector<16xi32> -> vector<16xf32>
          %add3A_264 = arith.addf %add3A_260, %gather3A_263 : vector<16xf32>
          %broadcast_in_dim3A_265 = vector.shape_cast %and3A_50 : vector<16xi32> to vector<16x1xi32>
          %gather3A_266 = vector.shape_cast %broadcast_in_dim3A_265 : vector<16x1xi32> to vector<16xi32>
          %gather3A_267 = tpu.dynamic_gather %add3A_264[%gather3A_266] in [0] : vector<16xf32>, vector<16xi32> -> vector<16xf32>
          %add3A_268 = arith.addf %add3A_264, %gather3A_267 : vector<16xf32>
          %broadcast_in_dim3A_269 = vector.shape_cast %and3A_56 : vector<16xi32> to vector<16x1xi32>
          %gather3A_270 = vector.shape_cast %broadcast_in_dim3A_269 : vector<16x1xi32> to vector<16xi32>
          %gather3A_271 = tpu.dynamic_gather %add3A_268[%gather3A_270] in [0] : vector<16xf32>, vector<16xi32> -> vector<16xf32>
          %add3A_272 = arith.addf %add3A_268, %gather3A_271 : vector<16xf32>
          %eq3A = vector.broadcast %scan3A_176 : i32 to vector<16xi32>
          %eq3A_273 = arith.cmpi eq, %iota3A, %eq3A : vector<16xi32>
          %select_n3A = arith.select %eq3A_273, %add3A_272, %scan3A_177 : vector<16xi1>, vector<16xf32>
          %scan3A_274 = arith.constant 1 : i32
          %scan3A_275 = arith.addi %scan3A_176, %scan3A_274 : i32
          %add3A_276 = arith.addi %mul3A_156, %scan3A_275 : i32
          %get3A_277 = arith.index_cast %add3A_276 : i32 to index
          %get3A_278 = arith.constant 0 : index
          %get3A_279 = tpu.vector_load %arg12[%get3A_277, %get3A_278] {strides = array<i32>} : memref<80x128xf32, #tpu.memory_space<vmem>>, vector<1x16xf32>,
          %get3A_280 = vector.shape_cast %get3A_279 : vector<1x16xf32> to vector<16xf32>
          %get3A_281 = arith.index_cast %add3A_276 : i32 to index
          %get3A_282 = arith.constant 0 : index
          %get3A_283 = tpu.vector_load %arg13[%get3A_281, %get3A_282] {strides = array<i32>} : memref<80x128xf32, #tpu.memory_space<vmem>>, vector<1x16xf32>,
          %get3A_284 = vector.shape_cast %get3A_283 : vector<1x16xf32> to vector<16xf32>
          %mul3A_285 = arith.mulf %get3A_280, %get3A_284 : vector<16xf32>
          %get3A_286 = arith.index_cast %add3A_276 : i32 to index
          %get3A_287 = arith.constant 16 : index
          %get3A_288 = tpu.vector_load %arg12[%get3A_286, %get3A_287] {strides = array<i32>} : memref<80x128xf32, #tpu.memory_space<vmem>>, vector<1x16xf32>,
          %get3A_289 = vector.shape_cast %get3A_288 : vector<1x16xf32> to vector<16xf32>
          %get3A_290 = arith.index_cast %add3A_276 : i32 to index
          %get3A_291 = arith.constant 16 : index
          %get3A_292 = tpu.vector_load %arg13[%get3A_290, %get3A_291] {strides = array<i32>} : memref<80x128xf32, #tpu.memory_space<vmem>>, vector<1x16xf32>,
          %get3A_293 = vector.shape_cast %get3A_292 : vector<1x16xf32> to vector<16xf32>
          %mul3A_294 = arith.mulf %get3A_289, %get3A_293 : vector<16xf32>
          %add3A_295 = arith.addf %mul3A_285, %mul3A_294 : vector<16xf32>
          %get3A_296 = arith.index_cast %add3A_276 : i32 to index
          %get3A_297 = arith.constant 32 : index
          %get3A_298 = tpu.vector_load %arg12[%get3A_296, %get3A_297] {strides = array<i32>} : memref<80x128xf32, #tpu.memory_space<vmem>>, vector<1x16xf32>,
          %get3A_299 = vector.shape_cast %get3A_298 : vector<1x16xf32> to vector<16xf32>
          %get3A_300 = arith.index_cast %add3A_276 : i32 to index
          %get3A_301 = arith.constant 32 : index
          %get3A_302 = tpu.vector_load %arg13[%get3A_300, %get3A_301] {strides = array<i32>} : memref<80x128xf32, #tpu.memory_space<vmem>>, vector<1x16xf32>,
          %get3A_303 = vector.shape_cast %get3A_302 : vector<1x16xf32> to vector<16xf32>
          %mul3A_304 = arith.mulf %get3A_299, %get3A_303 : vector<16xf32>
          %add3A_305 = arith.addf %add3A_295, %mul3A_304 : vector<16xf32>
          %get3A_306 = arith.index_cast %add3A_276 : i32 to index
          %get3A_307 = arith.constant 48 : index
          %get3A_308 = tpu.vector_load %arg12[%get3A_306, %get3A_307] {strides = array<i32>} : memref<80x128xf32, #tpu.memory_space<vmem>>, vector<1x16xf32>,
          %get3A_309 = vector.shape_cast %get3A_308 : vector<1x16xf32> to vector<16xf32>
          %get3A_310 = arith.index_cast %add3A_276 : i32 to index
          %get3A_311 = arith.constant 48 : index
          %get3A_312 = tpu.vector_load %arg13[%get3A_310, %get3A_311] {strides = array<i32>} : memref<80x128xf32, #tpu.memory_space<vmem>>, vector<1x16xf32>,
          %get3A_313 = vector.shape_cast %get3A_312 : vector<1x16xf32> to vector<16xf32>
          %mul3A_314 = arith.mulf %get3A_309, %get3A_313 : vector<16xf32>
          %add3A_315 = arith.addf %add3A_305, %mul3A_314 : vector<16xf32>
          %get3A_316 = arith.index_cast %add3A_276 : i32 to index
          %get3A_317 = arith.constant 64 : index
          %get3A_318 = tpu.vector_load %arg12[%get3A_316, %get3A_317] {strides = array<i32>} : memref<80x128xf32, #tpu.memory_space<vmem>>, vector<1x16xf32>,
          %get3A_319 = vector.shape_cast %get3A_318 : vector<1x16xf32> to vector<16xf32>
          %get3A_320 = arith.index_cast %add3A_276 : i32 to index
          %get3A_321 = arith.constant 64 : index
          %get3A_322 = tpu.vector_load %arg13[%get3A_320, %get3A_321] {strides = array<i32>} : memref<80x128xf32, #tpu.memory_space<vmem>>, vector<1x16xf32>,
          %get3A_323 = vector.shape_cast %get3A_322 : vector<1x16xf32> to vector<16xf32>
          %mul3A_324 = arith.mulf %get3A_319, %get3A_323 : vector<16xf32>
          %add3A_325 = arith.addf %add3A_315, %mul3A_324 : vector<16xf32>
          %get3A_326 = arith.index_cast %add3A_276 : i32 to index
          %get3A_327 = arith.constant 80 : index
          %get3A_328 = tpu.vector_load %arg12[%get3A_326, %get3A_327] {strides = array<i32>} : memref<80x128xf32, #tpu.memory_space<vmem>>, vector<1x16xf32>,
          %get3A_329 = vector.shape_cast %get3A_328 : vector<1x16xf32> to vector<16xf32>
          %get3A_330 = arith.index_cast %add3A_276 : i32 to index
          %get3A_331 = arith.constant 80 : index
          %get3A_332 = tpu.vector_load %arg13[%get3A_330, %get3A_331] {strides = array<i32>} : memref<80x128xf32, #tpu.memory_space<vmem>>, vector<1x16xf32>,
          %get3A_333 = vector.shape_cast %get3A_332 : vector<1x16xf32> to vector<16xf32>
          %mul3A_334 = arith.mulf %get3A_329, %get3A_333 : vector<16xf32>
          %add3A_335 = arith.addf %add3A_325, %mul3A_334 : vector<16xf32>
          %get3A_336 = arith.index_cast %add3A_276 : i32 to index
          %get3A_337 = arith.constant 96 : index
          %get3A_338 = tpu.vector_load %arg12[%get3A_336, %get3A_337] {strides = array<i32>} : memref<80x128xf32, #tpu.memory_space<vmem>>, vector<1x16xf32>,
          %get3A_339 = vector.shape_cast %get3A_338 : vector<1x16xf32> to vector<16xf32>
          %get3A_340 = arith.index_cast %add3A_276 : i32 to index
          %get3A_341 = arith.constant 96 : index
          %get3A_342 = tpu.vector_load %arg13[%get3A_340, %get3A_341] {strides = array<i32>} : memref<80x128xf32, #tpu.memory_space<vmem>>, vector<1x16xf32>,
          %get3A_343 = vector.shape_cast %get3A_342 : vector<1x16xf32> to vector<16xf32>
          %mul3A_344 = arith.mulf %get3A_339, %get3A_343 : vector<16xf32>
          %add3A_345 = arith.addf %add3A_335, %mul3A_344 : vector<16xf32>
          %get3A_346 = arith.index_cast %add3A_276 : i32 to index
          %get3A_347 = arith.constant 112 : index
          %get3A_348 = tpu.vector_load %arg12[%get3A_346, %get3A_347] {strides = array<i32>} : memref<80x128xf32, #tpu.memory_space<vmem>>, vector<1x16xf32>,
          %get3A_349 = vector.shape_cast %get3A_348 : vector<1x16xf32> to vector<16xf32>
          %get3A_350 = arith.index_cast %add3A_276 : i32 to index
          %get3A_351 = arith.constant 112 : index
          %get3A_352 = tpu.vector_load %arg13[%get3A_350, %get3A_351] {strides = array<i32>} : memref<80x128xf32, #tpu.memory_space<vmem>>, vector<1x16xf32>,
          %get3A_353 = vector.shape_cast %get3A_352 : vector<1x16xf32> to vector<16xf32>
          %mul3A_354 = arith.mulf %get3A_349, %get3A_353 : vector<16xf32>
          %add3A_355 = arith.addf %add3A_345, %mul3A_354 : vector<16xf32>
          %broadcast_in_dim3A_356 = vector.shape_cast %and3A_38 : vector<16xi32> to vector<16x1xi32>
          %gather3A_357 = vector.shape_cast %broadcast_in_dim3A_356 : vector<16x1xi32> to vector<16xi32>
          %gather3A_358 = tpu.dynamic_gather %add3A_355[%gather3A_357] in [0] : vector<16xf32>, vector<16xi32> -> vector<16xf32>
          %add3A_359 = arith.addf %add3A_355, %gather3A_358 : vector<16xf32>
          %broadcast_in_dim3A_360 = vector.shape_cast %and3A_44 : vector<16xi32> to vector<16x1xi32>
          %gather3A_361 = vector.shape_cast %broadcast_in_dim3A_360 : vector<16x1xi32> to vector<16xi32>
          %gather3A_362 = tpu.dynamic_gather %add3A_359[%gather3A_361] in [0] : vector<16xf32>, vector<16xi32> -> vector<16xf32>
          %add3A_363 = arith.addf %add3A_359, %gather3A_362 : vector<16xf32>
          %broadcast_in_dim3A_364 = vector.shape_cast %and3A_50 : vector<16xi32> to vector<16x1xi32>
          %gather3A_365 = vector.shape_cast %broadcast_in_dim3A_364 : vector<16x1xi32> to vector<16xi32>
          %gather3A_366 = tpu.dynamic_gather %add3A_363[%gather3A_365] in [0] : vector<16xf32>, vector<16xi32> -> vector<16xf32>
          %add3A_367 = arith.addf %add3A_363, %gather3A_366 : vector<16xf32>
          %broadcast_in_dim3A_368 = vector.shape_cast %and3A_56 : vector<16xi32> to vector<16x1xi32>
          %gather3A_369 = vector.shape_cast %broadcast_in_dim3A_368 : vector<16x1xi32> to vector<16xi32>
          %gather3A_370 = tpu.dynamic_gather %add3A_367[%gather3A_369] in [0] : vector<16xf32>, vector<16xi32> -> vector<16xf32>
          %add3A_371 = arith.addf %add3A_367, %gather3A_370 : vector<16xf32>
          %eq3A_372 = vector.broadcast %scan3A_275 : i32 to vector<16xi32>
          %eq3A_373 = arith.cmpi eq, %iota3A, %eq3A_372 : vector<16xi32>
          %select_n3A_374 = arith.select %eq3A_373, %add3A_371, %select_n3A : vector<16xi1>, vector<16xf32>
          scf.yield %select_n3A_374 : vector<16xf32>
        }
        %scan3A_163 = arith.constant 16 : i32
        %neg3A = arith.constant 0.000000e+00 : f32
        %neg3A_164 = vector.broadcast %neg3A : f32 to vector<16xf32>
        %neg3A_165 = arith.subf %neg3A_164, %scan3A_162 : vector<16xf32>
        %exp3A = math.exp %neg3A_165 : vector<16xf32>
        %add3A_166 = arith.constant 1.000000e+00 : f32
        %add3A_167 = vector.broadcast %add3A_166 : f32 to vector<16xf32>
        %add3A_168 = arith.addf %add3A_167, %exp3A : vector<16xf32>
        %div3A = arith.constant 1.000000e+00 : f32
        %div3A_169 = vector.broadcast %div3A : f32 to vector<16xf32>
        %div3A_170 = arith.divf %div3A_169, %add3A_168 : vector<16xf32>
        %add3A_171 = arith.addi %mul3A_143, %mul3A_156 : i32
        %swap3A_172 = arith.index_cast %add3A_171 : i32 to index
        %swap3A_173 = tpu.vector_load %arg14[%swap3A_172] {strides = array<i32>} : memref<10000xf32, #tpu.memory_space<vmem>>, vector<16xf32>,
        %swap3A_174 = vector.shape_cast %swap3A_173 : vector<16xf32> to vector<16xf32>
        %swap3A_175 = vector.shape_cast %div3A_170 : vector<16xf32> to vector<16xf32>
        tpu.vector_store %arg14[%swap3A_172], %swap3A_175 {strides = array<i32>} : memref<10000xf32, #tpu.memory_space<vmem>>, vector<16xf32>,
      }
      %scan3A_149 = arith.constant 5 : i32
      %add3A_150 = arith.constant 2 : i32
      %add3A_151 = arith.addi %add3A_131, %add3A_150 : i32
      %lt3A = arith.constant 125 : i32
      %lt3A_152 = arith.cmpi slt, %add3A_151, %lt3A : i32
      %convert_element_type3A = arith.extui %lt3A_152 : i1 to i32
      %cond3A = arith.constant 0 : i32
      %cond3A_153 = arith.cmpi ne, %convert_element_type3A, %cond3A : i32
      scf.if %cond3A_153 {
        %add3A_154 = arith.constant 2 : i32
        %add3A_155 = arith.addi %add3A_131, %add3A_154 : i32
        %mul3A_156 = arith.constant 80 : i32
        %mul3A_157 = arith.muli %add3A_155, %mul3A_156 : i32
        %dma_start3A_158 = tpu.memref_slice %arg7[%mul3A_157] : memref<10000xi32, #tpu.memory_space<vmem>> -> memref<80xi32, #tpu.memory_space<vmem>>
        %dma_start3A_159 = arith.constant 0 : i32
        %dma_start3A_160 = arith.constant 0 : i32
        %dma_start3A_161 = tpu.memref_slice %arg2[%dma_start3A_159, %dma_start3A_160] : memref<90000x128xf32, #tpu.memory_space<hbm>> -> memref<90000x128xf32, #tpu.memory_space<hbm>>
        tpu.enqueue_indirect_dma source(%dma_start3A_161 : memref<90000x128xf32, #tpu.memory_space<hbm>>) target(%arg12 : memref<80x128xf32, #tpu.memory_space<vmem>>) offsets(%dma_start3A_158 : memref<80xi32, #tpu.memory_space<vmem>>) semaphore(%arg16 : memref<!tpu.dma_semaphore, #tpu.memory_space<semaphore_mem>>)
        %dma_start3A_162 = tpu.memref_slice %arg8[%mul3A_157] : memref<10000xi32, #tpu.memory_space<vmem>> -> memref<80xi32, #tpu.memory_space<vmem>>
        %dma_start3A_163 = arith.constant 0 : i32
        %dma_start3A_164 = arith.constant 0 : i32
        %dma_start3A_165 = tpu.memref_slice %arg2[%dma_start3A_163, %dma_start3A_164] : memref<90000x128xf32, #tpu.memory_space<hbm>> -> memref<90000x128xf32, #tpu.memory_space<hbm>>
        tpu.enqueue_indirect_dma source(%dma_start3A_165 : memref<90000x128xf32, #tpu.memory_space<hbm>>) target(%arg13 : memref<80x128xf32, #tpu.memory_space<vmem>>) offsets(%dma_start3A_162 : memref<80xi32, #tpu.memory_space<vmem>>) semaphore(%arg16 : memref<!tpu.dma_semaphore, #tpu.memory_space<semaphore_mem>>)
      } else {
      }
    }
    %scan3A_81 = arith.constant 62 : i32
    %dma_wait3A = arith.constant 9920 : i32
    %dma_wait3A_82 = tpu.memref_slice %arg7[%dma_wait3A] : memref<10000xi32, #tpu.memory_space<vmem>> -> memref<80xi32, #tpu.memory_space<vmem>>
    %dma_wait3A_83 = arith.constant 0 : i32
    %dma_wait3A_84 = arith.constant 0 : i32
    %dma_wait3A_85 = tpu.memref_slice %arg2[%dma_wait3A_83, %dma_wait3A_84] : memref<90000x128xf32, #tpu.memory_space<hbm>> -> memref<90000x128xf32, #tpu.memory_space<hbm>>
    tpu.wait_indirect_dma semaphore(%arg15 : memref<!tpu.dma_semaphore, #tpu.memory_space<semaphore_mem>>) src(%dma_wait3A_85 : memref<90000x128xf32, #tpu.memory_space<hbm>>) dst(%arg10 : memref<80x128xf32, #tpu.memory_space<vmem>>)
    %dma_wait3A_86 = arith.constant 9920 : i32
    %dma_wait3A_87 = tpu.memref_slice %arg8[%dma_wait3A_86] : memref<10000xi32, #tpu.memory_space<vmem>> -> memref<80xi32, #tpu.memory_space<vmem>>
    %dma_wait3A_88 = arith.constant 0 : i32
    %dma_wait3A_89 = arith.constant 0 : i32
    %dma_wait3A_90 = tpu.memref_slice %arg2[%dma_wait3A_88, %dma_wait3A_89] : memref<90000x128xf32, #tpu.memory_space<hbm>> -> memref<90000x128xf32, #tpu.memory_space<hbm>>
    tpu.wait_indirect_dma semaphore(%arg15 : memref<!tpu.dma_semaphore, #tpu.memory_space<semaphore_mem>>) src(%dma_wait3A_90 : memref<90000x128xf32, #tpu.memory_space<hbm>>) dst(%arg11 : memref<80x128xf32, #tpu.memory_space<vmem>>)
    %scan3A_91 = arith.constant 0 : i32
    %scan3A_92 = arith.constant 0 : i32
    %scan3A_93 = arith.constant 5 : i32
    %scan3A_94 = arith.addi %scan3A_92, %scan3A_93 : i32
    %scan3A_95 = arith.constant 1 : i32
    scf.for %scan3A_97 = %scan3A_92 to %scan3A_94 step %scan3A_95  : i32 {
      %mul3A_98 = arith.constant 16 : i32
      %mul3A_99 = arith.muli %scan3A_97, %mul3A_98 : i32
      %broadcast_in_dim3A = arith.constant 0.000000e+00 : f32
      %broadcast_in_dim3A_100 = vector.broadcast %broadcast_in_dim3A : f32 to vector<16xf32>
      %scan3A_101 = arith.constant 0 : i32
      %scan3A_102 = arith.constant 16 : i32
      %scan3A_103 = arith.addi %scan3A_101, %scan3A_102 : i32
      %scan3A_104 = arith.constant 2 : i32
      %scan3A_105 = scf.for %scan3A_120 = %scan3A_101 to %scan3A_103 step %scan3A_104 iter_args(%scan3A_121 = %broadcast_in_dim3A_100) -> (vector<16xf32>)  : i32 {
        %add3A_122 = arith.addi %mul3A_99, %scan3A_120 : i32
        %get3A_123 = arith.index_cast %add3A_122 : i32 to index
        %get3A_124 = arith.constant 0 : index
        %get3A_125 = tpu.vector_load %arg10[%get3A_123, %get3A_124] {strides = array<i32>} : memref<80x128xf32, #tpu.memory_space<vmem>>, vector<1x16xf32>,
        %get3A_126 = vector.shape_cast %get3A_125 : vector<1x16xf32> to vector<16xf32>
        %get3A_127 = arith.index_cast %add3A_122 : i32 to index
        %get3A_128 = arith.constant 0 : index
        %get3A_129 = tpu.vector_load %arg11[%get3A_127, %get3A_128] {strides = array<i32>} : memref<80x128xf32, #tpu.memory_space<vmem>>, vector<1x16xf32>,
        %get3A_130 = vector.shape_cast %get3A_129 : vector<1x16xf32> to vector<16xf32>
        %mul3A_131 = arith.mulf %get3A_126, %get3A_130 : vector<16xf32>
        %get3A_132 = arith.index_cast %add3A_122 : i32 to index
        %get3A_133 = arith.constant 16 : index
        %get3A_134 = tpu.vector_load %arg10[%get3A_132, %get3A_133] {strides = array<i32>} : memref<80x128xf32, #tpu.memory_space<vmem>>, vector<1x16xf32>,
        %get3A_135 = vector.shape_cast %get3A_134 : vector<1x16xf32> to vector<16xf32>
        %get3A_136 = arith.index_cast %add3A_122 : i32 to index
        %get3A_137 = arith.constant 16 : index
        %get3A_138 = tpu.vector_load %arg11[%get3A_136, %get3A_137] {strides = array<i32>} : memref<80x128xf32, #tpu.memory_space<vmem>>, vector<1x16xf32>,
        %get3A_139 = vector.shape_cast %get3A_138 : vector<1x16xf32> to vector<16xf32>
        %mul3A_140 = arith.mulf %get3A_135, %get3A_139 : vector<16xf32>
        %add3A_141 = arith.addf %mul3A_131, %mul3A_140 : vector<16xf32>
        %get3A_142 = arith.index_cast %add3A_122 : i32 to index
        %get3A_143 = arith.constant 32 : index
        %get3A_144 = tpu.vector_load %arg10[%get3A_142, %get3A_143] {strides = array<i32>} : memref<80x128xf32, #tpu.memory_space<vmem>>, vector<1x16xf32>,
        %get3A_145 = vector.shape_cast %get3A_144 : vector<1x16xf32> to vector<16xf32>
        %get3A_146 = arith.index_cast %add3A_122 : i32 to index
        %get3A_147 = arith.constant 32 : index
        %get3A_148 = tpu.vector_load %arg11[%get3A_146, %get3A_147] {strides = array<i32>} : memref<80x128xf32, #tpu.memory_space<vmem>>, vector<1x16xf32>,
        %get3A_149 = vector.shape_cast %get3A_148 : vector<1x16xf32> to vector<16xf32>
        %mul3A_150 = arith.mulf %get3A_145, %get3A_149 : vector<16xf32>
        %add3A_151 = arith.addf %add3A_141, %mul3A_150 : vector<16xf32>
        %get3A_152 = arith.index_cast %add3A_122 : i32 to index
        %get3A_153 = arith.constant 48 : index
        %get3A_154 = tpu.vector_load %arg10[%get3A_152, %get3A_153] {strides = array<i32>} : memref<80x128xf32, #tpu.memory_space<vmem>>, vector<1x16xf32>,
        %get3A_155 = vector.shape_cast %get3A_154 : vector<1x16xf32> to vector<16xf32>
        %get3A_156 = arith.index_cast %add3A_122 : i32 to index
        %get3A_157 = arith.constant 48 : index
        %get3A_158 = tpu.vector_load %arg11[%get3A_156, %get3A_157] {strides = array<i32>} : memref<80x128xf32, #tpu.memory_space<vmem>>, vector<1x16xf32>,
        %get3A_159 = vector.shape_cast %get3A_158 : vector<1x16xf32> to vector<16xf32>
        %mul3A_160 = arith.mulf %get3A_155, %get3A_159 : vector<16xf32>
        %add3A_161 = arith.addf %add3A_151, %mul3A_160 : vector<16xf32>
        %get3A_162 = arith.index_cast %add3A_122 : i32 to index
        %get3A_163 = arith.constant 64 : index
        %get3A_164 = tpu.vector_load %arg10[%get3A_162, %get3A_163] {strides = array<i32>} : memref<80x128xf32, #tpu.memory_space<vmem>>, vector<1x16xf32>,
        %get3A_165 = vector.shape_cast %get3A_164 : vector<1x16xf32> to vector<16xf32>
        %get3A_166 = arith.index_cast %add3A_122 : i32 to index
        %get3A_167 = arith.constant 64 : index
        %get3A_168 = tpu.vector_load %arg11[%get3A_166, %get3A_167] {strides = array<i32>} : memref<80x128xf32, #tpu.memory_space<vmem>>, vector<1x16xf32>,
        %get3A_169 = vector.shape_cast %get3A_168 : vector<1x16xf32> to vector<16xf32>
        %mul3A_170 = arith.mulf %get3A_165, %get3A_169 : vector<16xf32>
        %add3A_171 = arith.addf %add3A_161, %mul3A_170 : vector<16xf32>
        %get3A_172 = arith.index_cast %add3A_122 : i32 to index
        %get3A_173 = arith.constant 80 : index
        %get3A_174 = tpu.vector_load %arg10[%get3A_172, %get3A_173] {strides = array<i32>} : memref<80x128xf32, #tpu.memory_space<vmem>>, vector<1x16xf32>,
        %get3A_175 = vector.shape_cast %get3A_174 : vector<1x16xf32> to vector<16xf32>
        %get3A_176 = arith.index_cast %add3A_122 : i32 to index
        %get3A_177 = arith.constant 80 : index
        %get3A_178 = tpu.vector_load %arg11[%get3A_176, %get3A_177] {strides = array<i32>} : memref<80x128xf32, #tpu.memory_space<vmem>>, vector<1x16xf32>,
        %get3A_179 = vector.shape_cast %get3A_178 : vector<1x16xf32> to vector<16xf32>
        %mul3A_180 = arith.mulf %get3A_175, %get3A_179 : vector<16xf32>
        %add3A_181 = arith.addf %add3A_171, %mul3A_180 : vector<16xf32>
        %get3A_182 = arith.index_cast %add3A_122 : i32 to index
        %get3A_183 = arith.constant 96 : index
        %get3A_184 = tpu.vector_load %arg10[%get3A_182, %get3A_183] {strides = array<i32>} : memref<80x128xf32, #tpu.memory_space<vmem>>, vector<1x16xf32>,
        %get3A_185 = vector.shape_cast %get3A_184 : vector<1x16xf32> to vector<16xf32>
        %get3A_186 = arith.index_cast %add3A_122 : i32 to index
        %get3A_187 = arith.constant 96 : index
        %get3A_188 = tpu.vector_load %arg11[%get3A_186, %get3A_187] {strides = array<i32>} : memref<80x128xf32, #tpu.memory_space<vmem>>, vector<1x16xf32>,
        %get3A_189 = vector.shape_cast %get3A_188 : vector<1x16xf32> to vector<16xf32>
        %mul3A_190 = arith.mulf %get3A_185, %get3A_189 : vector<16xf32>
        %add3A_191 = arith.addf %add3A_181, %mul3A_190 : vector<16xf32>
        %get3A_192 = arith.index_cast %add3A_122 : i32 to index
        %get3A_193 = arith.constant 112 : index
        %get3A_194 = tpu.vector_load %arg10[%get3A_192, %get3A_193] {strides = array<i32>} : memref<80x128xf32, #tpu.memory_space<vmem>>, vector<1x16xf32>,
        %get3A_195 = vector.shape_cast %get3A_194 : vector<1x16xf32> to vector<16xf32>
        %get3A_196 = arith.index_cast %add3A_122 : i32 to index
        %get3A_197 = arith.constant 112 : index
        %get3A_198 = tpu.vector_load %arg11[%get3A_196, %get3A_197] {strides = array<i32>} : memref<80x128xf32, #tpu.memory_space<vmem>>, vector<1x16xf32>,
        %get3A_199 = vector.shape_cast %get3A_198 : vector<1x16xf32> to vector<16xf32>
        %mul3A_200 = arith.mulf %get3A_195, %get3A_199 : vector<16xf32>
        %add3A_201 = arith.addf %add3A_191, %mul3A_200 : vector<16xf32>
        %broadcast_in_dim3A_202 = vector.shape_cast %and3A_38 : vector<16xi32> to vector<16x1xi32>
        %gather3A = vector.shape_cast %broadcast_in_dim3A_202 : vector<16x1xi32> to vector<16xi32>
        %gather3A_203 = tpu.dynamic_gather %add3A_201[%gather3A] in [0] : vector<16xf32>, vector<16xi32> -> vector<16xf32>
        %add3A_204 = arith.addf %add3A_201, %gather3A_203 : vector<16xf32>
        %broadcast_in_dim3A_205 = vector.shape_cast %and3A_44 : vector<16xi32> to vector<16x1xi32>
        %gather3A_206 = vector.shape_cast %broadcast_in_dim3A_205 : vector<16x1xi32> to vector<16xi32>
        %gather3A_207 = tpu.dynamic_gather %add3A_204[%gather3A_206] in [0] : vector<16xf32>, vector<16xi32> -> vector<16xf32>
        %add3A_208 = arith.addf %add3A_204, %gather3A_207 : vector<16xf32>
        %broadcast_in_dim3A_209 = vector.shape_cast %and3A_50 : vector<16xi32> to vector<16x1xi32>
        %gather3A_210 = vector.shape_cast %broadcast_in_dim3A_209 : vector<16x1xi32> to vector<16xi32>
        %gather3A_211 = tpu.dynamic_gather %add3A_208[%gather3A_210] in [0] : vector<16xf32>, vector<16xi32> -> vector<16xf32>
        %add3A_212 = arith.addf %add3A_208, %gather3A_211 : vector<16xf32>
        %broadcast_in_dim3A_213 = vector.shape_cast %and3A_56 : vector<16xi32> to vector<16x1xi32>
        %gather3A_214 = vector.shape_cast %broadcast_in_dim3A_213 : vector<16x1xi32> to vector<16xi32>
        %gather3A_215 = tpu.dynamic_gather %add3A_212[%gather3A_214] in [0] : vector<16xf32>, vector<16xi32> -> vector<16xf32>
        %add3A_216 = arith.addf %add3A_212, %gather3A_215 : vector<16xf32>
        %eq3A = vector.broadcast %scan3A_120 : i32 to vector<16xi32>
        %eq3A_217 = arith.cmpi eq, %iota3A, %eq3A : vector<16xi32>
        %select_n3A = arith.select %eq3A_217, %add3A_216, %scan3A_121 : vector<16xi1>, vector<16xf32>
        %scan3A_218 = arith.constant 1 : i32
        %scan3A_219 = arith.addi %scan3A_120, %scan3A_218 : i32
        %add3A_220 = arith.addi %mul3A_99, %scan3A_219 : i32
        %get3A_221 = arith.index_cast %add3A_220 : i32 to index
        %get3A_222 = arith.constant 0 : index
        %get3A_223 = tpu.vector_load %arg10[%get3A_221, %get3A_222] {strides = array<i32>} : memref<80x128xf32, #tpu.memory_space<vmem>>, vector<1x16xf32>,
        %get3A_224 = vector.shape_cast %get3A_223 : vector<1x16xf32> to vector<16xf32>
        %get3A_225 = arith.index_cast %add3A_220 : i32 to index
        %get3A_226 = arith.constant 0 : index
        %get3A_227 = tpu.vector_load %arg11[%get3A_225, %get3A_226] {strides = array<i32>} : memref<80x128xf32, #tpu.memory_space<vmem>>, vector<1x16xf32>,
        %get3A_228 = vector.shape_cast %get3A_227 : vector<1x16xf32> to vector<16xf32>
        %mul3A_229 = arith.mulf %get3A_224, %get3A_228 : vector<16xf32>
        %get3A_230 = arith.index_cast %add3A_220 : i32 to index
        %get3A_231 = arith.constant 16 : index
        %get3A_232 = tpu.vector_load %arg10[%get3A_230, %get3A_231] {strides = array<i32>} : memref<80x128xf32, #tpu.memory_space<vmem>>, vector<1x16xf32>,
        %get3A_233 = vector.shape_cast %get3A_232 : vector<1x16xf32> to vector<16xf32>
        %get3A_234 = arith.index_cast %add3A_220 : i32 to index
        %get3A_235 = arith.constant 16 : index
        %get3A_236 = tpu.vector_load %arg11[%get3A_234, %get3A_235] {strides = array<i32>} : memref<80x128xf32, #tpu.memory_space<vmem>>, vector<1x16xf32>,
        %get3A_237 = vector.shape_cast %get3A_236 : vector<1x16xf32> to vector<16xf32>
        %mul3A_238 = arith.mulf %get3A_233, %get3A_237 : vector<16xf32>
        %add3A_239 = arith.addf %mul3A_229, %mul3A_238 : vector<16xf32>
        %get3A_240 = arith.index_cast %add3A_220 : i32 to index
        %get3A_241 = arith.constant 32 : index
        %get3A_242 = tpu.vector_load %arg10[%get3A_240, %get3A_241] {strides = array<i32>} : memref<80x128xf32, #tpu.memory_space<vmem>>, vector<1x16xf32>,
        %get3A_243 = vector.shape_cast %get3A_242 : vector<1x16xf32> to vector<16xf32>
        %get3A_244 = arith.index_cast %add3A_220 : i32 to index
        %get3A_245 = arith.constant 32 : index
        %get3A_246 = tpu.vector_load %arg11[%get3A_244, %get3A_245] {strides = array<i32>} : memref<80x128xf32, #tpu.memory_space<vmem>>, vector<1x16xf32>,
        %get3A_247 = vector.shape_cast %get3A_246 : vector<1x16xf32> to vector<16xf32>
        %mul3A_248 = arith.mulf %get3A_243, %get3A_247 : vector<16xf32>
        %add3A_249 = arith.addf %add3A_239, %mul3A_248 : vector<16xf32>
        %get3A_250 = arith.index_cast %add3A_220 : i32 to index
        %get3A_251 = arith.constant 48 : index
        %get3A_252 = tpu.vector_load %arg10[%get3A_250, %get3A_251] {strides = array<i32>} : memref<80x128xf32, #tpu.memory_space<vmem>>, vector<1x16xf32>,
        %get3A_253 = vector.shape_cast %get3A_252 : vector<1x16xf32> to vector<16xf32>
        %get3A_254 = arith.index_cast %add3A_220 : i32 to index
        %get3A_255 = arith.constant 48 : index
        %get3A_256 = tpu.vector_load %arg11[%get3A_254, %get3A_255] {strides = array<i32>} : memref<80x128xf32, #tpu.memory_space<vmem>>, vector<1x16xf32>,
        %get3A_257 = vector.shape_cast %get3A_256 : vector<1x16xf32> to vector<16xf32>
        %mul3A_258 = arith.mulf %get3A_253, %get3A_257 : vector<16xf32>
        %add3A_259 = arith.addf %add3A_249, %mul3A_258 : vector<16xf32>
        %get3A_260 = arith.index_cast %add3A_220 : i32 to index
        %get3A_261 = arith.constant 64 : index
        %get3A_262 = tpu.vector_load %arg10[%get3A_260, %get3A_261] {strides = array<i32>} : memref<80x128xf32, #tpu.memory_space<vmem>>, vector<1x16xf32>,
        %get3A_263 = vector.shape_cast %get3A_262 : vector<1x16xf32> to vector<16xf32>
        %get3A_264 = arith.index_cast %add3A_220 : i32 to index
        %get3A_265 = arith.constant 64 : index
        %get3A_266 = tpu.vector_load %arg11[%get3A_264, %get3A_265] {strides = array<i32>} : memref<80x128xf32, #tpu.memory_space<vmem>>, vector<1x16xf32>,
        %get3A_267 = vector.shape_cast %get3A_266 : vector<1x16xf32> to vector<16xf32>
        %mul3A_268 = arith.mulf %get3A_263, %get3A_267 : vector<16xf32>
        %add3A_269 = arith.addf %add3A_259, %mul3A_268 : vector<16xf32>
        %get3A_270 = arith.index_cast %add3A_220 : i32 to index
        %get3A_271 = arith.constant 80 : index
        %get3A_272 = tpu.vector_load %arg10[%get3A_270, %get3A_271] {strides = array<i32>} : memref<80x128xf32, #tpu.memory_space<vmem>>, vector<1x16xf32>,
        %get3A_273 = vector.shape_cast %get3A_272 : vector<1x16xf32> to vector<16xf32>
        %get3A_274 = arith.index_cast %add3A_220 : i32 to index
        %get3A_275 = arith.constant 80 : index
        %get3A_276 = tpu.vector_load %arg11[%get3A_274, %get3A_275] {strides = array<i32>} : memref<80x128xf32, #tpu.memory_space<vmem>>, vector<1x16xf32>,
        %get3A_277 = vector.shape_cast %get3A_276 : vector<1x16xf32> to vector<16xf32>
        %mul3A_278 = arith.mulf %get3A_273, %get3A_277 : vector<16xf32>
        %add3A_279 = arith.addf %add3A_269, %mul3A_278 : vector<16xf32>
        %get3A_280 = arith.index_cast %add3A_220 : i32 to index
        %get3A_281 = arith.constant 96 : index
        %get3A_282 = tpu.vector_load %arg10[%get3A_280, %get3A_281] {strides = array<i32>} : memref<80x128xf32, #tpu.memory_space<vmem>>, vector<1x16xf32>,
        %get3A_283 = vector.shape_cast %get3A_282 : vector<1x16xf32> to vector<16xf32>
        %get3A_284 = arith.index_cast %add3A_220 : i32 to index
        %get3A_285 = arith.constant 96 : index
        %get3A_286 = tpu.vector_load %arg11[%get3A_284, %get3A_285] {strides = array<i32>} : memref<80x128xf32, #tpu.memory_space<vmem>>, vector<1x16xf32>,
        %get3A_287 = vector.shape_cast %get3A_286 : vector<1x16xf32> to vector<16xf32>
        %mul3A_288 = arith.mulf %get3A_283, %get3A_287 : vector<16xf32>
        %add3A_289 = arith.addf %add3A_279, %mul3A_288 : vector<16xf32>
        %get3A_290 = arith.index_cast %add3A_220 : i32 to index
        %get3A_291 = arith.constant 112 : index
        %get3A_292 = tpu.vector_load %arg10[%get3A_290, %get3A_291] {strides = array<i32>} : memref<80x128xf32, #tpu.memory_space<vmem>>, vector<1x16xf32>,
        %get3A_293 = vector.shape_cast %get3A_292 : vector<1x16xf32> to vector<16xf32>
        %get3A_294 = arith.index_cast %add3A_220 : i32 to index
        %get3A_295 = arith.constant 112 : index
        %get3A_296 = tpu.vector_load %arg11[%get3A_294, %get3A_295] {strides = array<i32>} : memref<80x128xf32, #tpu.memory_space<vmem>>, vector<1x16xf32>,
        %get3A_297 = vector.shape_cast %get3A_296 : vector<1x16xf32> to vector<16xf32>
        %mul3A_298 = arith.mulf %get3A_293, %get3A_297 : vector<16xf32>
        %add3A_299 = arith.addf %add3A_289, %mul3A_298 : vector<16xf32>
        %broadcast_in_dim3A_300 = vector.shape_cast %and3A_38 : vector<16xi32> to vector<16x1xi32>
        %gather3A_301 = vector.shape_cast %broadcast_in_dim3A_300 : vector<16x1xi32> to vector<16xi32>
        %gather3A_302 = tpu.dynamic_gather %add3A_299[%gather3A_301] in [0] : vector<16xf32>, vector<16xi32> -> vector<16xf32>
        %add3A_303 = arith.addf %add3A_299, %gather3A_302 : vector<16xf32>
        %broadcast_in_dim3A_304 = vector.shape_cast %and3A_44 : vector<16xi32> to vector<16x1xi32>
        %gather3A_305 = vector.shape_cast %broadcast_in_dim3A_304 : vector<16x1xi32> to vector<16xi32>
        %gather3A_306 = tpu.dynamic_gather %add3A_303[%gather3A_305] in [0] : vector<16xf32>, vector<16xi32> -> vector<16xf32>
        %add3A_307 = arith.addf %add3A_303, %gather3A_306 : vector<16xf32>
        %broadcast_in_dim3A_308 = vector.shape_cast %and3A_50 : vector<16xi32> to vector<16x1xi32>
        %gather3A_309 = vector.shape_cast %broadcast_in_dim3A_308 : vector<16x1xi32> to vector<16xi32>
        %gather3A_310 = tpu.dynamic_gather %add3A_307[%gather3A_309] in [0] : vector<16xf32>, vector<16xi32> -> vector<16xf32>
        %add3A_311 = arith.addf %add3A_307, %gather3A_310 : vector<16xf32>
        %broadcast_in_dim3A_312 = vector.shape_cast %and3A_56 : vector<16xi32> to vector<16x1xi32>
        %gather3A_313 = vector.shape_cast %broadcast_in_dim3A_312 : vector<16x1xi32> to vector<16xi32>
        %gather3A_314 = tpu.dynamic_gather %add3A_311[%gather3A_313] in [0] : vector<16xf32>, vector<16xi32> -> vector<16xf32>
        %add3A_315 = arith.addf %add3A_311, %gather3A_314 : vector<16xf32>
        %eq3A_316 = vector.broadcast %scan3A_219 : i32 to vector<16xi32>
        %eq3A_317 = arith.cmpi eq, %iota3A, %eq3A_316 : vector<16xi32>
        %select_n3A_318 = arith.select %eq3A_317, %add3A_315, %select_n3A : vector<16xi1>, vector<16xf32>
        scf.yield %select_n3A_318 : vector<16xf32>
      }
      %scan3A_106 = arith.constant 16 : i32
      %neg3A = arith.constant 0.000000e+00 : f32
      %neg3A_107 = vector.broadcast %neg3A : f32 to vector<16xf32>
      %neg3A_108 = arith.subf %neg3A_107, %scan3A_105 : vector<16xf32>
      %exp3A = math.exp %neg3A_108 : vector<16xf32>
      %add3A_109 = arith.constant 1.000000e+00 : f32
      %add3A_110 = vector.broadcast %add3A_109 : f32 to vector<16xf32>
      %add3A_111 = arith.addf %add3A_110, %exp3A : vector<16xf32>
      %div3A = arith.constant 1.000000e+00 : f32
      %div3A_112 = vector.broadcast %div3A : f32 to vector<16xf32>
      %div3A_113 = arith.divf %div3A_112, %add3A_111 : vector<16xf32>
      %add3A_114 = arith.constant 9920 : i32
      %add3A_115 = arith.addi %add3A_114, %mul3A_99 : i32
      %swap3A_116 = arith.index_cast %add3A_115 : i32 to index
      %swap3A_117 = tpu.vector_load %arg14[%swap3A_116] {strides = array<i32>} : memref<10000xf32, #tpu.memory_space<vmem>>, vector<16xf32>,
      %swap3A_118 = vector.shape_cast %swap3A_117 : vector<16xf32> to vector<16xf32>
      %swap3A_119 = vector.shape_cast %div3A_113 : vector<16xf32> to vector<16xf32>
      tpu.vector_store %arg14[%swap3A_116], %swap3A_119 {strides = array<i32>} : memref<10000xf32, #tpu.memory_space<vmem>>, vector<16xf32>,
    }
    %scan3A_96 = arith.constant 5 : i32
    "tpu.region"() ({
      %run_scoped3A = tpu.sem_alloc : memref<!tpu.dma_semaphore, #tpu.memory_space<semaphore_mem>>
      %dma_start3A_97 = tpu.memref_slice %arg6[%mul3A_2] : memref<320000xf32, #tpu.memory_space<hbm>> -> memref<10000xf32, #tpu.memory_space<hbm>>
      %dma_start3A_98 = tpu.memref_slice %arg6[%mul3A_2] : memref<320000xf32, #tpu.memory_space<hbm>> -> memref<10000xf32, #tpu.memory_space<hbm>>
      tpu.enqueue_dma source(%arg14 : memref<10000xf32, #tpu.memory_space<vmem>>) target(%dma_start3A_98 : memref<10000xf32, #tpu.memory_space<hbm>>) target_semaphore(%run_scoped3A : memref<!tpu.dma_semaphore, #tpu.memory_space<semaphore_mem>>)
      %dma_wait3A_99 = tpu.memref_slice %arg6[%mul3A_2] : memref<320000xf32, #tpu.memory_space<hbm>> -> memref<10000xf32, #tpu.memory_space<hbm>>
      %dma_wait3A_100 = tpu.memref_slice %arg6[%mul3A_2] : memref<320000xf32, #tpu.memory_space<hbm>> -> memref<10000xf32, #tpu.memory_space<hbm>>
      tpu.wait_dma2 semaphore(%run_scoped3A : memref<!tpu.dma_semaphore, #tpu.memory_space<semaphore_mem>>) src(%arg14 : memref<10000xf32, #tpu.memory_space<vmem>>) dst(%dma_wait3A_100 : memref<10000xf32, #tpu.memory_space<hbm>>)
      tpu.yield
    }) : () -> ()
    return
  }
}

module attributes {stable_mosaic.version = 14 : i64} {
  func.func @_pack_body(%arg0: i32, %arg1: i32, %arg2: memref<200x128xf32, #tpu.memory_space<vmem>>, %arg3: memref<9x128xf32, #tpu.memory_space<vmem>>, %arg4: memref<200x128xf32, #tpu.memory_space<vmem>>) attributes {dimension_semantics = [#tpu.dimension_semantics<arbitrary>, #tpu.dimension_semantics<arbitrary>], iteration_bounds = array<i64: 9, 50>, scalar_prefetch = 0 : i64, scratch_operands = 0 : i64, tpu.core_type = #tpu.core_type<tc>, window_params = [{transform_indices = @transform_0, window_bounds = array<i64: 200, 128>}, {pipeline_mode = #tpu.pipeline_mode<synchronous>, transform_indices = @transform_1, window_bounds = array<i64: 9, 128>}, {transform_indices = @transform_2, window_bounds = array<i64: 200, 128>}]} {
    %get3A = arith.constant 0 : index
    %get3A_0 = arith.constant 0 : index
    %get3A_1 = vector.load %arg2[%get3A, %get3A_0] : memref<200x128xf32, #tpu.memory_space<vmem>>, vector<200x128xf32>
    %get3A_2 = arith.index_cast %arg0 : i32 to index
    %get3A_3 = arith.constant 0 : index
    %get3A_4 = vector.load %arg3[%get3A_2, %get3A_3] : memref<9x128xf32, #tpu.memory_space<vmem>>, vector<1x128xf32>
    %mul3A = vector.broadcast %get3A_4 : vector<1x128xf32> to vector<200x128xf32>
    %mul3A_5 = arith.mulf %get3A_1, %mul3A : vector<200x128xf32>
    %swap3A = arith.constant 0 : index
    %swap3A_6 = arith.constant 0 : index
    %swap3A_7 = vector.load %arg4[%swap3A, %swap3A_6] : memref<200x128xf32, #tpu.memory_space<vmem>>, vector<200x128xf32>
    tpu.vector_store %arg4[%swap3A, %swap3A_6], %mul3A_5 {strides = array<i32>} : memref<200x128xf32, #tpu.memory_space<vmem>>, vector<200x128xf32>,
    return
  }
  func.func @transform_0(%arg0: i32, %arg1: i32) -> (i32, i32) {
    %c0_i32 = arith.constant 0 : i32
    %c0_i32_0 = arith.constant 0 : i32
    return %arg1, %c0_i32 : i32, i32
  }
  func.func @transform_1(%arg0: i32, %arg1: i32) -> (i32, i32) {
    %c0_i32 = arith.constant 0 : i32
    %c0_i32_0 = arith.constant 0 : i32
    %c0_i32_1 = arith.constant 0 : i32
    return %c0_i32, %c0_i32_0 : i32, i32
  }
  func.func @transform_2(%arg0: i32, %arg1: i32) -> (i32, i32) {
    %mul3A = arith.constant 50 : i32
    %mul3A_0 = arith.muli %arg0, %mul3A : i32
    %add3A = arith.addi %mul3A_0, %arg1 : i32
    %c0_i32 = arith.constant 0 : i32
    %c0_i32_1 = arith.constant 0 : i32
    return %add3A, %c0_i32 : i32, i32
  }
}

</mosaic_0001>

<sc_bundles>
// kernel: kernel.4.cloned.1.call-start
scs
__scs_entry_jumppad:
0x0: {  	(pc) =	sbr.rel $0x88, $3  }
0x1: {  	(tag) =	ssettag $0x0;
	lr =	simm.s32 $0x1  }
0x2: {  	[smem:$0x3F9C] =	sst lr;
	_ =	strace $0xD0000000  }
0x3: {  	_ = 	snop  }
0x4: {  	_ = 	snop  }
0x5: {  	_ = 	snop  }
0x6: {  	_ = 	snop  }
0x7: {  	_ = 	snop  }
__scs_overlays_trampoline_lowered:
0x8: {  	[smem:$0x3FAB] =	sst s0  }
0x9: {  	[smem:$0x3FAC] =	sst s1  }
0xa: {  	[smem:$0x3FAD] =	sst s2  }
0xb: {  	[smem:$0x3FAE] =	sst s3  }
0xc: {  	[smem:$0x3FAF] =	sst s4  }
0xd: {  	[smem:$0x3FB0] =	sst s5  }
0xe: {  	[smem:$0x3FB1] =	sst s6  }
0xf: {  	[smem:$0x3FB2] =	sst s7  }
0x10: {  	[smem:$0x3FB3] =	sst s8  }
0x11: {  	[smem:$0x3FB4] =	sst s9;
	s0 =	simm.s32 @!p0 $0x0  }
0x12: {  	s1 =	sld [smem:$0x3F9A];
	s0 =	simm.s32 @p0 $0x1  }
0x13: {  	[smem:$0x3FB5] =	sst s0;
	s0 =	simm.s32 @!p1 $0x0  }
0x14: {  	s2 =	sld [smem:$0x3F99];
	s0 =	simm.s32 @p1 $0x1  }
0x15: {  	[smem:$0x3FB6] =	sst s0;
	s0 =	simm.s32 @!p2 $0x0  }
0x16: {  	s3 =	sld [smem:$0x3FDB];
	s0 =	simm.s32 @p2 $0x1  }
0x17: {  	s4 =	simm.s32 $0x1BF5;
	[smem:$0x3FB8] =	sst s0  }
0x18: {  	s0 =	sld [smem:$0x3F9B];
	_ =	swait.ge [sflag:s4], $0x0  }
0x19: {  	s7 =	sld [smem:$0x3F9C]  }
0x1a: {  	s8 =	sadd.s32 $0xFFFFE003, lr  }
0x1b: {  	s9 =	sadd.s32 $0xFFFFFEF7, lr;
	s5 =	simm.s32 $0xFFFFFFFF;
	p2 =	slt.u32 s8, $0xFFFFF086  }
0x1c: {  	p1 =	slt.u32 s9, $0xF7A;
	s5 =	simm.s32 @!p2 $0x0  }
0x1d: {  	s5 =	simm.s32 @p1 $0x1;
	p0 =	seq.s32 s7, s2  }
0x1e: {  	s7 =	smul.u32 @!p0 $0xF7A, s2;
	p2 =	seq.s32 @!p0 s5, $0x0  }
0x1f: {  	s9 =	smul.u32 $0xF7A, s1;
	s8 =	simm.s32 @!p0 $0x1BF5;
	p2 =	por !p2, p0  }
0x20: {  	[sflag:s8] =	ssyncset.s32 @!p0 $0xFFFFF086;
	s6 =	sadd.s32 @!p0 s3, s7;
	s7 =	simm.s32 @!p0 $0x108  }
0x21: {  	s3 =	sadd.s32 s3, s9;
	s6 =	sadd.s32 @!p0 $0x88, s6;
	s7 =	simm.s32 @p2 $0x1082  }
0x22: {  	[simem:s7], [sflag:s8] =	dma.local @!p0 [hbm:s6], $0xF7A  }
0x23: {  	s9 =	sor.u32 $0xD0000000, s2;
	s6 =	simm.s32 $0x108;
	_ =	swait.ge @!p0 [sflag:s8], $0x0  }
0x24: {  	s3 =	sadd.s32 $0x88, s3;
	s6 =	simm.s32 @!p1 $0x1082;
	[sflag:s4] =	ssyncset.s32 $0xFFFFF086  }
0x25: {  	[simem:s6], [sflag:s4] =	dma.local [hbm:s3], $0xF7A  }
0x26: {  	[smem:$0x3F9C] =	sst s1;
	(tag) =	ssettag s2;
	_ =	strace s9  }
0x27: {  	s1 =	sld [smem:$0x3FAC]  }
0x28: {  	s2 =	sld [smem:$0x3FAD]  }
0x29: {  	s4 =	sld [smem:$0x3FAF]  }
0x2a: {  	p0 =	seq.s32 s5, $0x0;
	s5 =	sld [smem:$0x3FB0]  }
0x2b: {  	s6 =	sld [smem:$0x3FB1]  }
0x2c: {  	s7 =	sld [smem:$0x3FB2]  }
0x2d: {  	s3 =	simm.s32 $0x108;
	s8 =	sld [smem:$0x3FB3]  }
0x2e: {  	s3 =	simm.s32 @!p0 $0x1082;
	s9 =	sld [smem:$0x3FB4]  }
0x2f: {  	lr =	sadd.s32 s0, s3;
	s0 =	sld [smem:$0x3FAB]  }
0x30: {  	s3 =	sld [smem:$0x3FAE]  }
0x31: {  	[smem:$0x3FB7] =	sst s10  }
0x32: {  	s10 =	sld [smem:$0x3FB5];
	_ =	sdelay $0x3  }
0x33: {  	p0 =	seq.s32 s10, $0x1;
	s10 =	sld [smem:$0x3FB7];
	_ =	sdelay $0x3  }
0x34: {  	[smem:$0x3FB7] =	sst s10  }
0x35: {  	s10 =	sld [smem:$0x3FB6];
	_ =	sdelay $0x3  }
0x36: {  	p1 =	seq.s32 s10, $0x1;
	s10 =	sld [smem:$0x3FB7];
	_ =	sdelay $0x3  }
0x37: {  	[smem:$0x3FB7] =	sst s10  }
0x38: {  	s10 =	sld [smem:$0x3FB8]  }
0x39: {  	_ = 	snop;
	(pc) =	sbr.ind lr, $3  }
0x3a: {  	_ = 	snop  }
0x3b: {  	_ = 	snop  }
0x3c: {  	p2 =	seq.s32 s10, $0x1;
	s10 =	sld [smem:$0x3FB7]  }
0x3d: {  	_ =	shalt  }
0x3e: {  	_ =	shalt  }
0x3f: {  	_ =	shalt  }
0x40: {  	_ =	shalt  }
0x41: {  	_ =	shalt  }
0x42: {  	_ =	shalt  }
0x43: {  	_ =	shalt  }
0x44: {  	_ =	shalt  }
0x45: {  	_ =	shalt  }
0x46: {  	_ =	shalt  }
0x47: {  	_ =	shalt  }
0x48: {  	_ =	shalt  }
0x49: {  	_ =	shalt  }
0x4a: {  	_ =	shalt  }
0x4b: {  	_ =	shalt  }
0x4c: {  	_ =	shalt  }
0x4d: {  	_ =	shalt  }
0x4e: {  	_ =	shalt  }
0x4f: {  	_ =	shalt  }
0x50: {  	_ =	shalt  }
0x51: {  	_ =	shalt  }
0x52: {  	_ =	shalt  }
0x53: {  	_ =	shalt  }
0x54: {  	_ =	shalt  }
0x55: {  	_ =	shalt  }
0x56: {  	_ =	shalt  }
0x57: {  	_ =	shalt  }
0x58: {  	_ =	shalt  }
0x59: {  	_ =	shalt  }
0x5a: {  	_ =	shalt  }
0x5b: {  	_ =	shalt  }
0x5c: {  	_ =	shalt  }
0x5d: {  	_ =	shalt  }
0x5e: {  	_ =	shalt  }
0x5f: {  	_ =	shalt  }
0x60: {  	_ =	shalt  }
0x61: {  	_ =	shalt  }
0x62: {  	_ =	shalt  }
0x63: {  	_ =	shalt  }
0x64: {  	_ =	shalt  }
0x65: {  	_ =	shalt  }
0x66: {  	_ =	shalt  }
0x67: {  	_ =	shalt  }
0x68: {  	_ =	shalt  }
0x69: {  	_ =	shalt  }
0x6a: {  	_ =	shalt  }
0x6b: {  	_ =	shalt  }
0x6c: {  	_ =	shalt  }
0x6d: {  	_ =	shalt  }
0x6e: {  	_ =	shalt  }
0x6f: {  	_ =	shalt  }
0x70: {  	_ =	shalt  }
0x71: {  	_ =	shalt  }
0x72: {  	_ =	shalt  }
0x73: {  	_ =	shalt  }
0x74: {  	_ =	shalt  }
0x75: {  	_ =	shalt  }
0x76: {  	_ =	shalt  }
0x77: {  	_ =	shalt  }
0x78: {  	_ =	shalt  }
0x79: {  	_ =	shalt  }
0x7a: {  	_ =	shalt  }
0x7b: {  	_ =	shalt  }
0x7c: {  	_ =	shalt  }
0x7d: {  	_ =	shalt  }
0x7e: {  	_ =	shalt  }
0x7f: {  	_ =	shalt  }
0x80: {  	_ =	shalt  }
0x81: {  	_ =	shalt  }
0x82: {  	_ =	shalt  }
0x83: {  	_ =	shalt  }
0x84: {  	_ =	shalt  }
0x85: {  	_ =	shalt  }
0x86: {  	_ =	shalt  }
0x87: {  	_ =	shalt  }
.Lfunc_end0:
.L_simem_size_0:
called_computation_lowered:
.L_overlay_start_0:
0x88: {  	s2 =	sld [smem:$0x3FD9]  }
0x89: {  	s3 =	sld [smem:$0x3FFE];
	_ =	sdelay $0x1  }
0x8a: {  	s1 =	srdreg.scid  }
0x8b: {  	s0 =	sand.u32 $0x1, s1  }
0x8c: {  	s17 =	sshll.u32 s0, $0xA;
	s2 =	sadd.s32 s3, s2  }
0x8d: {  	s2 =	sadd.s32 s2, s17  }
0x8e: {  	[smem:$0x3FC3] =	sst s2  }
0x8f: {  	_ = 	snop  }
0x90: {  	s2 =	sld [smem:$0x3FC8]  }
0x91: {  	s18 =	sld [smem:$0x3FC7]  }
0x92: {  	s4 =	sld [smem:$0x3FC6]  }
0x93: {  	s5 =	sld [smem:$0x3FD0];
	(tm) =	ssettm $0x1  }
0x94: {  	s6 =	sld [smem:$0x3FFB];
	_ =	sdelay $0x3  }
0x95: {  	_ =	strace s6  }
0x96: {  	s6 =	sld [smem:$0x3FFC];
	_ =	sdelay $0x3  }
0x97: {  	_ =	strace s6  }
0x98: {  	s6 =	sld [smem:$0x3FFD];
	_ =	sdelay $0x3  }
0x99: {  	_ =	strace s6  }
0x9a: {  	_ =	strace $0x8FFFFFFF  }
0x9b: {  	s19 =	sld [smem:$0x3FDB];
	_ =	sdelay $0x1  }
0x9c: {  	s7 =	simm.s32 $_scs_section_size  }
0x9d: {  	s8 =	simm.s32 $_size__tile_overlayer_lowered;
	s9 =	simm.s32 $_tile_overlayer_lowered  }
0x9e: {  	s22 =	simm.s32 $0x1BFF;
	s21 =	sshll.u32 s9, $0x1;
	s6 =	sadd.s32 s7, s19  }
0x9f: {  	s10 =	simm.s32 $0x0;
	s20 =	sshll.u32 s8, $0x1;
	s8 =	sadd.s32 s21, s6  }
0xa0: {  	[timem:s10], [sflag:s22] =	dma.local [hbm:s8], s20  }
0xa1: {  	_ =	swait.ge [sflag:s22], s20  }
0xa2: {  	s7 =	ssub.s32 $0x0, s20;
	[sflag:s22] =	ssyncset.done $0x0  }
0xa3: {  	[sflag:s22] =	ssyncadd.s32 s7;
	_ =	sdelay $0x1  }
0xa4: {  	s23 =	simm.s32 $0x1B8B  }
0xa5: {  	_ =	swait.ge [sflag:s23], $0x1  }
0xa6: {  	[sflag:s23] =	ssyncset.done $0x0  }
0xa7: {  	s25 =	simm.s32 $0x1B8E;
	s24 =	sld [smem:$0x3FFE];
	[sflag:s23] =	ssyncadd.s32 $0xFFFFFFFF  }
0xa8: {  	s26 =	simm.s32 $execute0_lowered;
	[smem:$0x3FD2] =	sst s25  }
0xa9: {  	s8 =	sshll.u32 s26, $0x1;
	_ =	strace $0x80000046;
	[dreg:$0x1] =	wrdreg $0xFFFFFFFF  }
0xaa: {  	s28 =	simm.s32 $_size_execute0_lowered;
	s6 =	sadd.s32 s6, s8;
	[dreg:$0x0] =	wrdreg $0x0  }
0xab: {  	s8 =	sshll.u32 s28, $0x1;
	[dreg:$0x2] =	wrdreg s6  }
0xac: {  	[dreg:$0x3] =	wrdreg s8  }
0xad: {  	[dreg:$0x4] =	wrdreg $0xC0  }
0xae: {  	_ =	task [dreg:s10], $0x5FFFF  }
0xaf: {  	[dreg:$0x1] =	wrdreg $0xFFFFFFFF  }
0xb0: {  	[dreg:$0x0] =	wrdreg $0x60  }
0xb1: {  	[dreg:$0x2] =	wrdreg s24  }
0xb2: {  	[dreg:$0x3] =	wrdreg s2  }
0xb3: {  	[dreg:$0x4] =	wrdreg s18  }
0xb4: {  	[dreg:$0x5] =	wrdreg s4  }
0xb5: {  	[dreg:$0x6] =	wrdreg s5  }
0xb6: {  	[dreg:$0x7] =	wrdreg $0x9  }
0xb7: {  	_ =	task.clear_ibuf [dreg:s10], $0x8FFFF;
	_ =	strace $0x90000046  }
0xb8: {  	s29 =	simm.s32 $0x9;
	_ =	strace $0x80000048  }
0xb9: {  	_ =	swait.ge [sflag:s29], $0x1  }
0xba: {  	[sflag:s29] =	ssyncadd.s32 $0xFFFFFFFF  }
0xbb: {  	_ =	strace $0x90000048  }
0xbc: {  	_ =	sfence  }
0xbd: {  	s30 =	sld [smem:$0x0];
	_ =	sdelay $0x2  }
0xbe: {  	s31 =	sshll.u32 s1, $0xD;
	s1 =	sshrl.u32 s1, $0x2  }
0xbf: {  	s3 =	sand.u32 $0x4000, s31;
	s1 =	sadd.s32 s1, s30  }
0xc0: {  	s0 =	sor.u32 s3, s0;
	s1 =	sshll.u32 s1, $0x11  }
0xc1: {  	s0 =	sor.u32 s1, s0  }
0xc2: {  	s0 =	sadd.s32 $0x8F2B, s0  }
0xc3: {  	[sflag:s0] =	ssyncadd.remote.s32 $0x1  }
0xc4: {  	_ =	sfence.sel $0xFFFF  }
0xc5: {  	[dreg:$0x0] =	wrdreg $0xFFFFFFFF;
	(pc) =	sbr.abs _section_cstart, $3  }
0xc6: {  	[dreg:$0x1] =	wrdreg $0xFFFFFFFF  }
0xc7: {  	_ =	task.clear_ibuf [dreg:s10], $0x2FFFF;
	_ =	strace $0x9FFFFFFF  }
0xc8: {  	(tm) =	ssettm $0x7FFFFFFF  }
0xc9: {  	_ =	shalt  }
tec
execute0_lowered:
.L_overlay_start_1:
0x0: {  	(tag) =	ssettag $0x1  }
0x1: {  	s0 =	rddreg [dreg:$0x0]  }
0x2: {  	s2 =	rddreg [dreg:$0x1]  }
0x3: {  	v0 =	vimm.s32 $0xFEDCBA98;
	s5 =	rddreg [dreg:$0x2];
	v1 =	vimm.s32 $0x76543210;
	v2 =	vimm.s32 $0x3210FEDC  }
0x4: {  	s1 =	srdreg.scid;
	s6 =	rddreg [dreg:$0x3];
	v3 =	vimm.s32 $0xBA987654;
	v4 =	vimm.s32 $0x10FEDCBA;
	v5 =	vimm.s32 $0x98765432  }
0x5: {  	s4 =	stileid.u32;
	s7 =	rddreg [dreg:$0x4];
	v6 =	vimm.s32 $0xFEDCBA9;
	v7 =	vimm.s32 $0x87654321;
	s10 =	simm.s32 $0x2780  }
0x6: {  	s12 =	simm.s32 $0x50;
	s13 =	simm.s32 $0x7680;
	s14 =	simm.s32 $0x9E80;
	v0 =	vunpack.c.l.s4.s8 v0;
	v1 =	vunpack.c.l.s4.s8 v1;
	v2 =	vunpack.c.l.s4.s8 v2  }
0x7: {  	s15 =	simm.s32 $0xC680;
	s16 =	simm.s32 $0x27D0;
	s17 =	simm.s32 $0xEE80;
	v3 =	vunpack.c.l.s4.s8 v3;
	v4 =	vunpack.c.l.s4.s8 v4;
	v5 =	vunpack.c.l.s4.s8 v5  }
0x8: {  	s18 =	simm.s32 $0x1;
	s19 =	simm.s32 $0x2;
	s20 =	simm.s32 $0x11680;
	v6 =	vunpack.c.l.s4.s8 v6;
	v7 =	vunpack.c.l.s4.s8 v7;
	v0 =	vunpack.c.0.s8.s32 v0  }
0x9: {  	s21 =	simm.s32 $0x0;
	s3 =	sand.u32 $0x1, s1;
	s4 =	sshll.u32 s4, $0x1;
	v2 =	vunpack.c.0.s8.s32 v2;
	v3 =	vunpack.c.0.s8.s32 v3;
	v4 =	vunpack.c.0.s8.s32 v4  }
0xa: {  	s1 =	simm.s32 $0x0;
	s4 =	sor.u32 s3, s4;
	s8 =	ssub.s32 $0x2, s3;
	v5 =	vunpack.c.0.s8.s32 v5;
	v6 =	vunpack.c.0.s8.s32 v6;
	v7 =	vunpack.c.0.s8.s32 v7  }
0xb: {  	[smem:$0x7FF] =	sst s1;
	s9 =	smul.u32 $0x4E2, s4;
	s30 =	sshrl.u32 s8, $0x1;
	v1 =	vunpack.c.0.s8.s32 v1;
	v2 =	vcombine.low v3, v2  }
0xc: {  	s3 =	sadd.s32 $0x600, s0;
	_ =	strace $0x80000047;
	s31 =	ssub.s32 s8, s30;
	v3 =	vcombine.low v5, v4;
	v4 =	vcombine.low v7, v6;
	v0 =	vand.u32 $0xF, v0  }
0xd: {  	s4 =	sadd.s32 s2, s9;
	s5 =	sadd.s32 s5, s9;
	s6 =	sadd.s32 s6, s9;
	v0 =	vcombine.low v0, v1;
	v1 =	vand.u32 $0xF, v2  }
0xe: {  	s7 =	sadd.s32 s7, s9;
	s8 =	smax.u32 s31, $0x1;
	s9 =	simm.s32 $0x3;
	v2 =	vand.u32 $0xF, v3;
	v3 =	vand.u32 $0xF, v4;
	v4 =	vlaneseq.u32  }
.LBB2_1:
0xf: {  	[tilespmem:s1], [sflag:$0x3] =	stream.linear.gather [hbm4b:s4+s1], $0x2710, $0x38;
	[tilespmem:$0x13E00] =	vst v63  }
0x10: {  	_ =	swait.ge [sflag:s9], $0x2710  }
0x11: {  	[sflag:s9] =	ssyncset.done $0x0  }
0x12: {  	[sflag:s9] =	ssyncadd.s32 $0xFFFFD8F0  }
0x13: {  	[tilespmem:s10], [sflag:$0x3] =	stream.linear.gather [hbm4b:s5+s1], $0x2710, $0x38;
	[tilespmem:$0x13E00] =	vst v63  }
0x14: {  	_ =	swait.ge [sflag:s9], $0x2710  }
0x15: {  	[sflag:s9] =	ssyncset.done $0x0  }
0x16: {  	s0 =	simm.s32 $0x4F00;
	[sflag:s9] =	ssyncadd.s32 $0xFFFFD8F0  }
0x17: {  	[tilespmem:s0], [sflag:$0x3] =	stream.linear.gather [hbm4b:s6+s1], $0x2710, $0x38;
	[tilespmem:$0x13E00] =	vst v63  }
0x18: {  	_ =	swait.ge [sflag:s9], $0x2710  }
0x19: {  	[sflag:s9] =	ssyncset.done $0x0  }
0x1a: {  	s2 =	simm.s32 $0x4F20;
	[sflag:s9] =	ssyncadd.s32 $0xFFFFD8F0  }
0x1b: {  	v5 =	vld [tilespmem:s2+$0xFFFFFFE0]  }
0x1c: {  	s31 =	simm.s32 $0x20  }
0x1d: {  	v6 =	vld [tilespmem:s31+$0xFFFFFFE0];
	_ =	sdelay $0x2  }
0x1e: {  	v5 =	vmul.u32 $0x2710, v5;
	_ =	sdelay $0x1  }
0x1f: {  	v5 =	vadd.s32 v6, v5  }
0x20: {  	s22 =	simm.s32 $0x27A0;
	[tilespmem:s31+$0xFFFFFFE0] =	vst v5  }
0x21: {  	v5 =	vld [tilespmem:s22+$0xFFFFFFE0];
	_ =	sdelay $0x4  }
0x22: {  	v5 =	vadd.s32 $0x13880, v5  }
0x23: {  	[tilespmem:s22+$0xFFFFFFE0] =	vst v5  }
0x24: {  	v5 =	vld [tilespmem:s2+$0xFFFFFFF0];
	_ =	sdelay $0x1  }
0x25: {  	v6 =	vld [tilespmem:s31+$0xFFFFFFF0];
	_ =	sdelay $0x2  }
0x26: {  	v5 =	vmul.u32 $0x2710, v5;
	_ =	sdelay $0x1  }
0x27: {  	v5 =	vadd.s32 v6, v5  }
0x28: {  	[tilespmem:s31+$0xFFFFFFF0] =	vst v5  }
0x29: {  	v5 =	vld [tilespmem:s22+$0xFFFFFFF0];
	_ =	sdelay $0x4  }
0x2a: {  	v5 =	vadd.s32 $0x13880, v5  }
0x2b: {  	[tilespmem:s22+$0xFFFFFFF0] =	vst v5  }
0x2c: {  	v5 =	vld [tilespmem:s2+$0x0];
	_ =	sdelay $0x1  }
0x2d: {  	v6 =	vld [tilespmem:s31+$0x0];
	_ =	sdelay $0x2  }
0x2e: {  	v5 =	vmul.u32 $0x2710, v5;
	_ =	sdelay $0x1  }
0x2f: {  	v5 =	vadd.s32 v6, v5  }
0x30: {  	[tilespmem:s31+$0x0] =	vst v5  }
0x31: {  	v5 =	vld [tilespmem:s22+$0x0];
	_ =	sdelay $0x4  }
0x32: {  	v5 =	vadd.s32 $0x13880, v5  }
0x33: {  	[tilespmem:s22+$0x0] =	vst v5  }
0x34: {  	v5 =	vld [tilespmem:s2+$0x10];
	_ =	sdelay $0x1  }
0x35: {  	v6 =	vld [tilespmem:s31+$0x10];
	_ =	sdelay $0x2  }
0x36: {  	v5 =	vmul.u32 $0x2710, v5;
	_ =	sdelay $0x1  }
0x37: {  	v5 =	vadd.s32 v6, v5  }
0x38: {  	[tilespmem:s31+$0x10] =	vst v5  }
0x39: {  	v5 =	vld [tilespmem:s22+$0x10];
	_ =	sdelay $0x4  }
0x3a: {  	s23 =	simm.s32 $0x60;
	s0 =	simm.s32 $0x0;
	v5 =	vadd.s32 $0x13880, v5  }
.LBB2_2:
0x3b: {  	s0 =	sadd.s32 $0x4, s0;
	[tilespmem:s22+$0x10] =	vst v5;
	s22 =	sadd.s32 $0x40, s22;
	s2 =	sadd.s32 $0x40, s2  }
0x3c: {  	v5 =	vld [tilespmem:s2+$0xFFFFFFE0];
	p0 =	slt.u32 s0, $0x26C;
	_ =	sdelay $0x1  }
0x3d: {  	v6 =	vld [tilespmem:s23+$0xFFFFFFE0];
	_ =	sdelay $0x2  }
0x3e: {  	v5 =	vmul.u32 $0x2710, v5;
	_ =	sdelay $0x1  }
0x3f: {  	v5 =	vadd.s32 v6, v5  }
0x40: {  	[tilespmem:s23+$0xFFFFFFE0] =	vst v5  }
0x41: {  	v5 =	vld [tilespmem:s22+$0xFFFFFFE0];
	_ =	sdelay $0x4  }
0x42: {  	v5 =	vadd.s32 $0x13880, v5  }
0x43: {  	[tilespmem:s22+$0xFFFFFFE0] =	vst v5  }
0x44: {  	v5 =	vld [tilespmem:s2+$0xFFFFFFF0];
	_ =	sdelay $0x1  }
0x45: {  	v6 =	vld [tilespmem:s23+$0xFFFFFFF0];
	_ =	sdelay $0x2  }
0x46: {  	v5 =	vmul.u32 $0x2710, v5;
	_ =	sdelay $0x1  }
0x47: {  	v5 =	vadd.s32 v6, v5  }
0x48: {  	[tilespmem:s23+$0xFFFFFFF0] =	vst v5  }
0x49: {  	v5 =	vld [tilespmem:s22+$0xFFFFFFF0];
	_ =	sdelay $0x4  }
0x4a: {  	v5 =	vadd.s32 $0x13880, v5  }
0x4b: {  	[tilespmem:s22+$0xFFFFFFF0] =	vst v5  }
0x4c: {  	v5 =	vld [tilespmem:s2+$0x0];
	_ =	sdelay $0x1  }
0x4d: {  	v6 =	vld [tilespmem:s23+$0x0];
	_ =	sdelay $0x2  }
0x4e: {  	v5 =	vmul.u32 $0x2710, v5;
	_ =	sdelay $0x1  }
0x4f: {  	v5 =	vadd.s32 v6, v5  }
0x50: {  	[tilespmem:s23+$0x0] =	vst v5  }
0x51: {  	v5 =	vld [tilespmem:s22+$0x0];
	_ =	sdelay $0x4  }
0x52: {  	v5 =	vadd.s32 $0x13880, v5  }
0x53: {  	[tilespmem:s22+$0x0] =	vst v5  }
0x54: {  	v5 =	vld [tilespmem:s2+$0x10];
	_ =	sdelay $0x1  }
0x55: {  	v6 =	vld [tilespmem:s23+$0x10];
	_ =	sdelay $0x2  }
0x56: {  	v5 =	vmul.u32 $0x2710, v5;
	_ =	sdelay $0x1  }
0x57: {  	v5 =	vadd.s32 v6, v5  }
0x58: {  	[tilespmem:s23+$0x10] =	vst v5  }
0x59: {  	v5 =	vld [tilespmem:s22+$0x10]  }
.Ltmp0:
0x5a: {  	(pc) =	sbr.rel @p0 .LBB2_2-.Ltmp0, $2  }
0x5b: {  	_ =	sdelay $0x2  }
0x5c: {  	s23 =	sadd.s32 $0x40, s23;
	v5 =	vadd.s32 $0x13880, v5  }
0x5d: {  	[tilespmem:s22+$0x10] =	vst v5  }
0x5e: {  	v5 =	vld [tilespmem:$0x7600];
	_ =	sdelay $0x1  }
0x5f: {  	v6 =	vld [tilespmem:$0x2700]  }
0x60: {  	v7 =	vld [tilespmem:$0x4E80];
	_ =	sdelay $0x1  }
0x61: {  	v5 =	vmul.u32 $0x2710, v5;
	_ =	sdelay $0x1  }
0x62: {  	v5 =	vadd.s32 v6, v5  }
0x63: {  	[tilespmem:$0x2700] =	vst v5;
	v5 =	vadd.s32 $0x13880, v7  }
0x64: {  	s22 =	simm.s32 $0x0;
	[tilespmem:$0x4E80] =	vst v5  }
0x65: {  	[tilespmem:s13], [sflag:$0x1] =	stream.indirect.gather [hbm4b:s3+s12], $0x80, s22, s12, $0xb8;
	[tilespmem:$0x13E00] =	vst v63  }
0x66: {  	_ = 	snop  }
0x67: {  	[tilespmem:s14], [sflag:$0x1] =	stream.indirect.gather [hbm4b:s3+s12], $0x80, s10, s12, $0xb8;
	[tilespmem:$0x13E00] =	vst v63  }
0x68: {  	_ = 	snop  }
0x69: {  	[tilespmem:s15], [sflag:$0x2] =	stream.indirect.gather [hbm4b:s3+s12], $0x80, s12, s12, $0xb8;
	[tilespmem:$0x13E00] =	vst v63  }
0x6a: {  	_ = 	snop  }
0x6b: {  	[tilespmem:s17], [sflag:$0x2] =	stream.indirect.gather [hbm4b:s3+s12], $0x80, s16, s12, $0xb8;
	[tilespmem:$0x13E00] =	vst v63  }
.LBB2_4:
0x6c: {  	_ =	swait.ge [sflag:s18], $0x2800  }
0x6d: {  	s0 =	smul.u32 $0x280, s22;
	[sflag:s18] =	ssyncset.done $0x0  }
0x6e: {  	[sflag:s18] =	ssyncadd.s32 $0xFFFFD800  }
0x6f: {  	s24 =	sshra.s32 s0, $0x2;
	_ =	swait.ge [sflag:s18], $0x2800  }
0x70: {  	s23 =	simm.s32 $0x9F00;
	s0 =	sadd.s32 $0x11680, s24;
	[sflag:s18] =	ssyncset.done $0x0  }
0x71: {  	s25 =	simm.s32 $0x7700;
	s26 =	simm.s32 $0x0;
	v5 =	vmov s0;
	[sflag:s18] =	ssyncadd.s32 $0xFFFFD800  }
.LBB2_5:
0x72: {  	v10 =	vld [tilespmem:s25+$0x70]  }
0x73: {  	v11 =	vld [tilespmem:s25+$0xFFFFFFF0]  }
0x74: {  	v9 =	vld [tilespmem:s25+$0x60]  }
0x75: {  	v7 =	vld [tilespmem:s25+$0xFFFFFFE0]  }
0x76: {  	v8 =	vld [tilespmem:s25+$0x50]  }
0x77: {  	v6 =	vld [tilespmem:s25+$0xFFFFFFD0]  }
0x78: {  	v12 =	vld [tilespmem:s25+$0x40]  }
0x79: {  	v13 =	vld [tilespmem:s25+$0xFFFFFFC0]  }
0x7a: {  	v14 =	vld [tilespmem:s25+$0x30]  }
0x7b: {  	v15 =	vld [tilespmem:s25+$0xFFFFFFB0]  }
0x7c: {  	v16 =	vld [tilespmem:s25+$0x20]  }
0x7d: {  	v17 =	vld [tilespmem:s25+$0xFFFFFFA0]  }
0x7e: {  	v18 =	vld [tilespmem:s25+$0x0]  }
0x7f: {  	v19 =	vld [tilespmem:s23+$0x0]  }
0x80: {  	v20 =	vld [tilespmem:s25+$0x10]  }
0x81: {  	v21 =	vld [tilespmem:s25+$0xFFFFFF80]  }
0x82: {  	v22 =	vld [tilespmem:s23+$0xFFFFFF80]  }
0x83: {  	v23 =	vld [tilespmem:s25+$0xFFFFFF90]  }
0x84: {  	v24 =	vld [tilespmem:s23+$0xFFFFFF90]  }
0x85: {  	v25 =	vld [tilespmem:s23+$0x10]  }
0x86: {  	v26 =	vld [tilespmem:s23+$0xFFFFFFA0]  }
0x87: {  	v27 =	vld [tilespmem:s23+$0x20]  }
0x88: {  	v28 =	vld [tilespmem:s23+$0xFFFFFFB0]  }
0x89: {  	v21 =	vmul.f32 v22, v21;
	v22 =	vmul.f32 v24, v23;
	v23 =	vld [tilespmem:s23+$0x30]  }
0x8a: {  	v24 =	vld [tilespmem:s23+$0xFFFFFFC0];
	v18 =	vmul.f32 v19, v18;
	v19 =	vmul.f32 v25, v20  }
0x8b: {  	v17 =	vmul.f32 v26, v17;
	v20 =	vadd.f32 v22, v21;
	v21 =	vld [tilespmem:s23+$0x40]  }
0x8c: {  	v16 =	vmul.f32 v27, v16;
	v22 =	vld [tilespmem:s23+$0xFFFFFFD0];
	v18 =	vadd.f32 v19, v18  }
0x8d: {  	v15 =	vmul.f32 v28, v15;
	v19 =	vld [tilespmem:s23+$0x50];
	v17 =	vadd.f32 v17, v20  }
0x8e: {  	v20 =	vld [tilespmem:s23+$0xFFFFFFE0];
	v16 =	vadd.f32 v16, v18;
	v14 =	vmul.f32 v23, v14  }
0x8f: {  	v13 =	vmul.f32 v24, v13;
	v15 =	vadd.f32 v15, v17;
	v17 =	vld [tilespmem:s23+$0x60]  }
0x90: {  	v18 =	vld [tilespmem:s23+$0xFFFFFFF0];
	v14 =	vadd.f32 v14, v16;
	v12 =	vmul.f32 v21, v12  }
0x91: {  	s2 =	sadd.s32 $0x100, s23;
	v16 =	vld [tilespmem:s23+$0x70];
	v13 =	vadd.f32 v13, v15;
	v15 =	vmul.f32 v22, v6  }
0x92: {  	s31 =	sadd.s32 $0x100, s25;
	v25 =	vld [tilespmem:s2+$0xFFFFFF80];
	v12 =	vadd.f32 v12, v14;
	v14 =	vmul.f32 v19, v8  }
0x93: {  	v26 =	vld [tilespmem:s31+$0xFFFFFF90];
	v13 =	vadd.f32 v15, v13;
	v15 =	vmul.f32 v20, v7  }
0x94: {  	v27 =	vld [tilespmem:s2+$0xFFFFFF90];
	v12 =	vadd.f32 v14, v12;
	v14 =	vmul.f32 v17, v9  }
0x95: {  	v23 =	vld [tilespmem:s31+$0x10];
	v13 =	vadd.f32 v15, v13;
	v15 =	vmul.f32 v18, v11  }
0x96: {  	v6 =	vld [tilespmem:s31+$0x70];
	v10 =	vmul.f32 v16, v10;
	v14 =	vadd.f32 v14, v12  }
0x97: {  	v22 =	vld [tilespmem:s2+$0x0];
	v17 =	vadd.f32 v15, v13  }
0x98: {  	v8 =	vld [tilespmem:s31+$0xFFFFFFF0];
	v10 =	vadd.f32 v10, v14  }
0x99: {  	v7 =	vld [tilespmem:s31+$0x60];
	v18 =	vperm.xlane v17, v0  }
0x9a: {  	v20 =	vld [tilespmem:s31+$0x0];
	v19 =	vperm.xlane v10, v0  }
0x9b: {  	v9 =	vld [tilespmem:s31+$0xFFFFFFE0];
	v21 =	vadd.f32 v17, v18  }
0x9c: {  	v11 =	vld [tilespmem:s31+$0x50];
	v10 =	vadd.f32 v10, v19  }
0x9d: {  	v16 =	vld [tilespmem:s31+$0xFFFFFFB0];
	v19 =	vperm.xlane v21, v1  }
0x9e: {  	v12 =	vld [tilespmem:s31+$0xFFFFFFD0];
	v24 =	vperm.xlane v10, v1  }
0x9f: {  	v13 =	vld [tilespmem:s31+$0x40];
	v19 =	vadd.f32 v21, v19  }
0xa0: {  	v15 =	vld [tilespmem:s31+$0x30];
	v28 =	vadd.f32 v10, v24  }
0xa1: {  	v14 =	vld [tilespmem:s31+$0xFFFFFFC0];
	v21 =	vperm.xlane v19, v2  }
0xa2: {  	v17 =	vld [tilespmem:s31+$0x20];
	v29 =	vperm.xlane v28, v2  }
0xa3: {  	s28 =	sshll.u32 s26, $0x4;
	v18 =	vld [tilespmem:s31+$0xFFFFFFA0];
	v21 =	vadd.f32 v19, v21  }
0xa4: {  	s30 =	simm.s32 $0x0;
	s29 =	simm.s32 $0x2;
	s0 =	simm.s32 $0x4;
	v24 =	vld [tilespmem:s31+$0xFFFFFF80];
	v10 =	vimm.f32 $0.0e+00;
	v19 =	vadd.f32 v28, v29  }
.LBB2_6:
0xa5: {  	p0 =	slt.u32 s0, $0xE;
	v28 =	vld [tilespmem:s2+$0x10];
	v29 =	vperm.xlane v21, v3  }
0xa6: {  	s11 =	sadd.s32 $0x1, s30;
	v30 =	vld [tilespmem:s2+$0xFFFFFFA0];
	v31 =	vperm.xlane v19, v3  }
0xa7: {  	v33 =	vmov s11;
	v32 =	vld [tilespmem:s2+$0x20];
	v21 =	vadd.f32 v21, v29;
	v29 =	vmov s30;
	s30 =	smov.u32 s29;
	s29 =	smov.u32 s0  }
0xa8: {  	vm1 =	veq.s32 v33, v4;
	v34 =	vld [tilespmem:s2+$0xFFFFFFB0];
	vm0 =	veq.s32 v29, v4;
	v19 =	vadd.f32 v19, v31  }
0xa9: {  	v24 =	vmul.f32 v25, v24;
	v25 =	vmul.f32 v27, v26;
	v26 =	vld [tilespmem:s2+$0x30];
	v10 =	vsel vm0, v21, v10  }
0xaa: {  	v20 =	vmul.f32 v22, v20;
	v21 =	vld [tilespmem:s2+$0xFFFFFFC0];
	v22 =	vmul.f32 v28, v23;
	v10 =	vsel vm1, v19, v10  }
0xab: {  	v19 =	vadd.f32 v25, v24;
	v18 =	vmul.f32 v30, v18;
	v23 =	vld [tilespmem:s2+$0x40]  }
0xac: {  	v24 =	vld [tilespmem:s2+$0xFFFFFFD0];
	v20 =	vadd.f32 v22, v20;
	v17 =	vmul.f32 v32, v17  }
0xad: {  	v18 =	vadd.f32 v18, v19;
	v16 =	vmul.f32 v34, v16;
	v19 =	vld [tilespmem:s2+$0x50]  }
0xae: {  	v22 =	vld [tilespmem:s2+$0xFFFFFFE0];
	v17 =	vadd.f32 v17, v20;
	v15 =	vmul.f32 v26, v15  }
0xaf: {  	v16 =	vadd.f32 v16, v18;
	v14 =	vmul.f32 v21, v14;
	v18 =	vld [tilespmem:s2+$0x60]  }
0xb0: {  	v20 =	vld [tilespmem:s2+$0xFFFFFFF0];
	v15 =	vadd.f32 v15, v17;
	v13 =	vmul.f32 v23, v13  }
0xb1: {  	s31 =	sadd.s32 $0x100, s31;
	v14 =	vadd.f32 v14, v16;
	v12 =	vmul.f32 v24, v12;
	v16 =	vld [tilespmem:s2+$0x70]  }
0xb2: {  	v17 =	vld [tilespmem:s31+$0x70];
	v13 =	vadd.f32 v13, v15;
	v11 =	vmul.f32 v19, v11  }
0xb3: {  	v15 =	vld [tilespmem:s31+$0xFFFFFFF0];
	v12 =	vadd.f32 v12, v14;
	v14 =	vmul.f32 v22, v9  }
0xb4: {  	v13 =	vadd.f32 v11, v13;
	v18 =	vmul.f32 v18, v7;
	v7 =	vld [tilespmem:s31+$0x60]  }
0xb5: {  	v9 =	vld [tilespmem:s31+$0xFFFFFFE0];
	v14 =	vadd.f32 v14, v12;
	v20 =	vmul.f32 v20, v8  }
0xb6: {  	v11 =	vld [tilespmem:s31+$0x50];
	v18 =	vadd.f32 v18, v13;
	v16 =	vmul.f32 v16, v6  }
0xb7: {  	v12 =	vld [tilespmem:s31+$0xFFFFFFD0];
	v19 =	vadd.f32 v20, v14;
	v6 =	vmov v17  }
0xb8: {  	v13 =	vld [tilespmem:s31+$0x40];
	v18 =	vadd.f32 v16, v18;
	v8 =	vmov v15  }
0xb9: {  	v14 =	vld [tilespmem:s31+$0xFFFFFFC0];
	v17 =	vperm.xlane v19, v0  }
0xba: {  	v15 =	vld [tilespmem:s31+$0x30];
	v20 =	vperm.xlane v18, v0  }
0xbb: {  	v16 =	vld [tilespmem:s31+$0xFFFFFFB0];
	v19 =	vadd.f32 v19, v17  }
0xbc: {  	v17 =	vld [tilespmem:s31+$0x20];
	v21 =	vadd.f32 v18, v20  }
0xbd: {  	v18 =	vld [tilespmem:s31+$0xFFFFFFA0];
	v23 =	vperm.xlane v19, v1  }
0xbe: {  	s2 =	sadd.s32 $0x100, s2;
	v20 =	vld [tilespmem:s31+$0x0];
	v24 =	vperm.xlane v21, v1  }
0xbf: {  	v22 =	vld [tilespmem:s2+$0x0];
	v19 =	vadd.f32 v19, v23  }
.Ltmp1:
0xc0: {  	v23 =	vld [tilespmem:s31+$0x10];
	v28 =	vadd.f32 v21, v24;
	(pc) =	sbr.rel @p0 .LBB2_6-.Ltmp1, $4  }
0xc1: {  	v24 =	vld [tilespmem:s31+$0xFFFFFF80];
	v21 =	vperm.xlane v19, v2  }
0xc2: {  	v25 =	vld [tilespmem:s2+$0xFFFFFF80];
	v29 =	vperm.xlane v28, v2  }
0xc3: {  	v26 =	vld [tilespmem:s31+$0xFFFFFF90];
	v21 =	vadd.f32 v19, v21  }
0xc4: {  	s0 =	sadd.s32 $0x2, s0;
	v27 =	vld [tilespmem:s2+$0xFFFFFF90];
	v19 =	vadd.f32 v28, v29  }
0xc5: {  	v28 =	vld [tilespmem:s2+$0x10]  }
0xc6: {  	v29 =	vld [tilespmem:s2+$0xFFFFFFA0]  }
0xc7: {  	v30 =	vld [tilespmem:s2+$0x20]  }
0xc8: {  	v31 =	vld [tilespmem:s2+$0xFFFFFFB0]  }
0xc9: {  	v41 =	vld [tilespmem:s2+$0x30];
	v24 =	vmul.f32 v25, v24;
	v40 =	vmul.f32 v27, v26  }
0xca: {  	v42 =	vld [tilespmem:s2+$0xFFFFFFC0];
	v20 =	vmul.f32 v22, v20;
	v43 =	vmul.f32 v28, v23  }
0xcb: {  	v45 =	vld [tilespmem:s2+$0x40];
	v18 =	vmul.f32 v29, v18;
	v44 =	vadd.f32 v40, v24  }
0xcc: {  	v46 =	vld [tilespmem:s2+$0xFFFFFFD0];
	v17 =	vmul.f32 v30, v17;
	v20 =	vadd.f32 v43, v20  }
0xcd: {  	v47 =	vld [tilespmem:s2+$0x50];
	v16 =	vmul.f32 v31, v16;
	v18 =	vadd.f32 v18, v44  }
0xce: {  	v48 =	vld [tilespmem:s2+$0xFFFFFFE0];
	v15 =	vmul.f32 v41, v15;
	v17 =	vadd.f32 v17, v20  }
0xcf: {  	v49 =	vld [tilespmem:s2+$0x60];
	v14 =	vmul.f32 v42, v14;
	v16 =	vadd.f32 v16, v18  }
0xd0: {  	v50 =	vld [tilespmem:s2+$0xFFFFFFF0];
	v13 =	vmul.f32 v45, v13;
	v15 =	vadd.f32 v15, v17  }
0xd1: {  	v51 =	vld [tilespmem:s2+$0x70];
	v12 =	vmul.f32 v46, v12;
	v14 =	vadd.f32 v14, v16  }
0xd2: {  	v11 =	vmul.f32 v47, v11;
	v13 =	vadd.f32 v13, v15  }
0xd3: {  	v9 =	vmul.f32 v48, v9;
	v12 =	vadd.f32 v12, v14  }
0xd4: {  	v7 =	vmul.f32 v49, v7;
	v11 =	vadd.f32 v11, v13  }
0xd5: {  	v8 =	vmul.f32 v50, v8;
	v9 =	vadd.f32 v9, v12  }
0xd6: {  	v6 =	vmul.f32 v51, v6;
	v7 =	vadd.f32 v7, v11  }
0xd7: {  	v8 =	vadd.f32 v8, v9  }
0xd8: {  	v6 =	vadd.f32 v6, v7  }
0xd9: {  	v7 =	vperm.xlane v8, v0  }
0xda: {  	v52 =	vperm.xlane v6, v0  }
0xdb: {  	v7 =	vadd.f32 v8, v7  }
0xdc: {  	v6 =	vadd.f32 v6, v52  }
0xdd: {  	v8 =	vperm.xlane v7, v1  }
0xde: {  	v9 =	vperm.xlane v6, v1  }
0xdf: {  	v7 =	vadd.f32 v7, v8  }
0xe0: {  	v6 =	vadd.f32 v6, v9  }
0xe1: {  	v54 =	vperm.xlane v7, v2  }
0xe2: {  	v53 =	vperm.xlane v21, v3;
	v55 =	vperm.xlane v6, v2  }
0xe3: {  	s0 =	sadd.s32 $0x1, s30;
	v57 =	vmov s30;
	v62 =	vmov s29;
	v7 =	vadd.f32 v7, v54  }
0xe4: {  	v56 =	vperm.xlane v19, v3;
	v58 =	vmov s0;
	v6 =	vadd.f32 v6, v55  }
0xe5: {  	s31 =	sadd.s32 $0x1, s29;
	vm0 =	veq.s32 v57, v4;
	v8 =	vadd.f32 v21, v53;
	v60 =	vperm.xlane v7, v3  }
0xe6: {  	v63 =	vmov s31;
	v59 =	vadd.f32 v19, v56;
	v61 =	vperm.xlane v6, v3  }
0xe7: {  	vm1 =	veq.s32 v58, v4;
	v8 =	vsel vm0, v8, v10;
	v7 =	vadd.f32 v7, v60  }
0xe8: {  	vm14 =	veq.s32 v62, v4;
	v8 =	vsel vm1, v59, v8;
	v6 =	vadd.f32 v6, v61  }
0xe9: {  	vm15 =	veq.s32 v63, v4;
	v7 =	vsel vm14, v7, v8  }
0xea: {  	v6 =	vsel vm15, v6, v7  }
0xeb: {  	v6 =	vsub.f32 $0.0e+00, v6;
	_ =	sdelay $0x1  }
0xec: {  	v6 =	vmul.f32 $1.442695020e+00, v6;
	_ =	sdelay $0x1  }
0xed: {  	(erf) = vpow2.f32 v6;
	_ =	sdelay $0x8  }
0xee: {  	v6 =	vpop (erf)  }
0xef: {  	v6 =	vadd.f32 $1.000000000e+00, v6;
	_ =	sdelay $0x1  }
0xf0: {  	(erf) = vrcp.f32 v6;
	_ =	sdelay $0x3  }
0xf1: {  	s26 =	sadd.s32 $0x1, s26  }
0xf2: {  	p0 =	sne.s32 s26, $0x5  }
.Ltmp2:
0xf3: {  	_ = 	snop;
	(pc) =	sbr.rel @p0 .LBB2_5-.Ltmp2, $3  }
0xf4: {  	_ =	sdelay $0x1  }
0xf5: {  	v6 =	vpop (erf)  }
0xf6: {  	s23 =	sadd.s32 $0x800, s23;
	s25 =	sadd.s32 $0x800, s25;
	[tilespmem:v5+s28+$0x0 ss:$0x1] =	vst.idx.msk $0xffff, v6  }
0xf7: {  	s23 =	smul.u32 $0xA0, s22;
	_ =	sdelay $0x1  }
0xf8: {  	s0 =	sadd.s32 $0xA0, s23  }
0xf9: {  	[tilespmem:s13], [sflag:$0x1] =	stream.indirect.gather [hbm4b:s3+s12], $0x80, s0, s12, $0xb8;
	[tilespmem:$0x13E00] =	vst v63  }
0xfa: {  	s30 =	sadd.s32 $0x2820, s23  }
0xfb: {  	[tilespmem:s14], [sflag:$0x1] =	stream.indirect.gather [hbm4b:s3+s12], $0x80, s30, s12, $0xb8;
	[tilespmem:$0x13E00] =	vst v63  }
0xfc: {  	_ =	swait.ge [sflag:s19], $0x2800  }
0xfd: {  	[sflag:s19] =	ssyncset.done $0x0  }
0xfe: {  	[sflag:s19] =	ssyncadd.s32 $0xFFFFD800  }
0xff: {  	_ =	swait.ge [sflag:s19], $0x2800  }
0x100: {  	s31 =	sadd.s32 $0x116D0, s24;
	s24 =	simm.s32 $0x0;
	[sflag:s19] =	ssyncset.done $0x0  }
0x101: {  	s25 =	simm.s32 $0xEF00;
	s26 =	simm.s32 $0xC700;
	v5 =	vmov s31;
	[sflag:s19] =	ssyncadd.s32 $0xFFFFD800  }
.LBB2_9:
0x102: {  	v10 =	vld [tilespmem:s26+$0x70]  }
0x103: {  	v11 =	vld [tilespmem:s26+$0xFFFFFFF0]  }
0x104: {  	v9 =	vld [tilespmem:s26+$0x60]  }
0x105: {  	v7 =	vld [tilespmem:s26+$0xFFFFFFE0]  }
0x106: {  	v8 =	vld [tilespmem:s26+$0x50]  }
0x107: {  	v6 =	vld [tilespmem:s26+$0xFFFFFFD0]  }
0x108: {  	v12 =	vld [tilespmem:s26+$0x40]  }
0x109: {  	v13 =	vld [tilespmem:s26+$0xFFFFFFC0]  }
0x10a: {  	v14 =	vld [tilespmem:s26+$0x30]  }
0x10b: {  	v15 =	vld [tilespmem:s26+$0xFFFFFFB0]  }
0x10c: {  	v16 =	vld [tilespmem:s26+$0x20]  }
0x10d: {  	v17 =	vld [tilespmem:s26+$0xFFFFFFA0]  }
0x10e: {  	v18 =	vld [tilespmem:s26+$0x0]  }
0x10f: {  	v19 =	vld [tilespmem:s25+$0x0]  }
0x110: {  	v20 =	vld [tilespmem:s26+$0x10]  }
0x111: {  	v21 =	vld [tilespmem:s26+$0xFFFFFF80]  }
0x112: {  	v22 =	vld [tilespmem:s25+$0xFFFFFF80]  }
0x113: {  	v23 =	vld [tilespmem:s26+$0xFFFFFF90]  }
0x114: {  	v24 =	vld [tilespmem:s25+$0xFFFFFF90]  }
0x115: {  	v25 =	vld [tilespmem:s25+$0x10]  }
0x116: {  	v26 =	vld [tilespmem:s25+$0xFFFFFFA0]  }
0x117: {  	v27 =	vld [tilespmem:s25+$0x20]  }
0x118: {  	v28 =	vld [tilespmem:s25+$0xFFFFFFB0]  }
0x119: {  	v21 =	vmul.f32 v22, v21;
	v22 =	vmul.f32 v24, v23;
	v23 =	vld [tilespmem:s25+$0x30]  }
0x11a: {  	v24 =	vld [tilespmem:s25+$0xFFFFFFC0];
	v18 =	vmul.f32 v19, v18;
	v19 =	vmul.f32 v25, v20  }
0x11b: {  	v17 =	vmul.f32 v26, v17;
	v20 =	vadd.f32 v22, v21;
	v21 =	vld [tilespmem:s25+$0x40]  }
0x11c: {  	v16 =	vmul.f32 v27, v16;
	v22 =	vld [tilespmem:s25+$0xFFFFFFD0];
	v18 =	vadd.f32 v19, v18  }
0x11d: {  	v15 =	vmul.f32 v28, v15;
	v19 =	vld [tilespmem:s25+$0x50];
	v17 =	vadd.f32 v17, v20  }
0x11e: {  	v20 =	vld [tilespmem:s25+$0xFFFFFFE0];
	v16 =	vadd.f32 v16, v18;
	v14 =	vmul.f32 v23, v14  }
0x11f: {  	v13 =	vmul.f32 v24, v13;
	v15 =	vadd.f32 v15, v17;
	v17 =	vld [tilespmem:s25+$0x60]  }
0x120: {  	v18 =	vld [tilespmem:s25+$0xFFFFFFF0];
	v14 =	vadd.f32 v14, v16;
	v12 =	vmul.f32 v21, v12  }
0x121: {  	s2 =	sadd.s32 $0x100, s25;
	v16 =	vld [tilespmem:s25+$0x70];
	v13 =	vadd.f32 v13, v15;
	v15 =	vmul.f32 v22, v6  }
0x122: {  	s31 =	sadd.s32 $0x100, s26;
	v25 =	vld [tilespmem:s2+$0xFFFFFF80];
	v12 =	vadd.f32 v12, v14;
	v14 =	vmul.f32 v19, v8  }
0x123: {  	v26 =	vld [tilespmem:s31+$0xFFFFFF90];
	v13 =	vadd.f32 v15, v13;
	v15 =	vmul.f32 v20, v7  }
0x124: {  	v27 =	vld [tilespmem:s2+$0xFFFFFF90];
	v12 =	vadd.f32 v14, v12;
	v14 =	vmul.f32 v17, v9  }
0x125: {  	v23 =	vld [tilespmem:s31+$0x10];
	v13 =	vadd.f32 v15, v13;
	v15 =	vmul.f32 v18, v11  }
0x126: {  	v6 =	vld [tilespmem:s31+$0x70];
	v10 =	vmul.f32 v16, v10;
	v14 =	vadd.f32 v14, v12  }
0x127: {  	v22 =	vld [tilespmem:s2+$0x0];
	v17 =	vadd.f32 v15, v13  }
0x128: {  	v8 =	vld [tilespmem:s31+$0xFFFFFFF0];
	v10 =	vadd.f32 v10, v14  }
0x129: {  	v7 =	vld [tilespmem:s31+$0x60];
	v18 =	vperm.xlane v17, v0  }
0x12a: {  	v20 =	vld [tilespmem:s31+$0x0];
	v19 =	vperm.xlane v10, v0  }
0x12b: {  	v9 =	vld [tilespmem:s31+$0xFFFFFFE0];
	v21 =	vadd.f32 v17, v18  }
0x12c: {  	v11 =	vld [tilespmem:s31+$0x50];
	v10 =	vadd.f32 v10, v19  }
0x12d: {  	v16 =	vld [tilespmem:s31+$0xFFFFFFB0];
	v19 =	vperm.xlane v21, v1  }
0x12e: {  	v12 =	vld [tilespmem:s31+$0xFFFFFFD0];
	v24 =	vperm.xlane v10, v1  }
0x12f: {  	v13 =	vld [tilespmem:s31+$0x40];
	v19 =	vadd.f32 v21, v19  }
0x130: {  	v15 =	vld [tilespmem:s31+$0x30];
	v28 =	vadd.f32 v10, v24  }
0x131: {  	v14 =	vld [tilespmem:s31+$0xFFFFFFC0];
	v21 =	vperm.xlane v19, v2  }
0x132: {  	v17 =	vld [tilespmem:s31+$0x20];
	v29 =	vperm.xlane v28, v2  }
0x133: {  	s28 =	sshll.u32 s24, $0x4;
	v18 =	vld [tilespmem:s31+$0xFFFFFFA0];
	v21 =	vadd.f32 v19, v21  }
0x134: {  	s29 =	simm.s32 $0x2;
	s0 =	simm.s32 $0x4;
	s30 =	simm.s32 $0x0;
	v24 =	vld [tilespmem:s31+$0xFFFFFF80];
	v10 =	vimm.f32 $0.0e+00;
	v19 =	vadd.f32 v28, v29  }
.LBB2_10:
0x135: {  	p0 =	slt.u32 s0, $0xE;
	v28 =	vld [tilespmem:s2+$0x10];
	v29 =	vperm.xlane v21, v3  }
0x136: {  	s11 =	sadd.s32 $0x1, s30;
	v30 =	vld [tilespmem:s2+$0xFFFFFFA0];
	v31 =	vperm.xlane v19, v3  }
0x137: {  	v33 =	vmov s11;
	v32 =	vld [tilespmem:s2+$0x20];
	v21 =	vadd.f32 v21, v29;
	v29 =	vmov s30;
	s30 =	smov.u32 s29;
	s29 =	smov.u32 s0  }
0x138: {  	vm1 =	veq.s32 v33, v4;
	v34 =	vld [tilespmem:s2+$0xFFFFFFB0];
	vm0 =	veq.s32 v29, v4;
	v19 =	vadd.f32 v19, v31  }
0x139: {  	v24 =	vmul.f32 v25, v24;
	v25 =	vmul.f32 v27, v26;
	v26 =	vld [tilespmem:s2+$0x30];
	v10 =	vsel vm0, v21, v10  }
0x13a: {  	v20 =	vmul.f32 v22, v20;
	v21 =	vld [tilespmem:s2+$0xFFFFFFC0];
	v22 =	vmul.f32 v28, v23;
	v10 =	vsel vm1, v19, v10  }
0x13b: {  	v19 =	vadd.f32 v25, v24;
	v18 =	vmul.f32 v30, v18;
	v23 =	vld [tilespmem:s2+$0x40]  }
0x13c: {  	v24 =	vld [tilespmem:s2+$0xFFFFFFD0];
	v20 =	vadd.f32 v22, v20;
	v17 =	vmul.f32 v32, v17  }
0x13d: {  	v18 =	vadd.f32 v18, v19;
	v16 =	vmul.f32 v34, v16;
	v19 =	vld [tilespmem:s2+$0x50]  }
0x13e: {  	v22 =	vld [tilespmem:s2+$0xFFFFFFE0];
	v17 =	vadd.f32 v17, v20;
	v15 =	vmul.f32 v26, v15  }
0x13f: {  	v16 =	vadd.f32 v16, v18;
	v14 =	vmul.f32 v21, v14;
	v18 =	vld [tilespmem:s2+$0x60]  }
0x140: {  	v20 =	vld [tilespmem:s2+$0xFFFFFFF0];
	v15 =	vadd.f32 v15, v17;
	v13 =	vmul.f32 v23, v13  }
0x141: {  	s31 =	sadd.s32 $0x100, s31;
	v14 =	vadd.f32 v14, v16;
	v12 =	vmul.f32 v24, v12;
	v16 =	vld [tilespmem:s2+$0x70]  }
0x142: {  	v17 =	vld [tilespmem:s31+$0x70];
	v13 =	vadd.f32 v13, v15;
	v11 =	vmul.f32 v19, v11  }
0x143: {  	v15 =	vld [tilespmem:s31+$0xFFFFFFF0];
	v12 =	vadd.f32 v12, v14;
	v14 =	vmul.f32 v22, v9  }
0x144: {  	v13 =	vadd.f32 v11, v13;
	v18 =	vmul.f32 v18, v7;
	v7 =	vld [tilespmem:s31+$0x60]  }
0x145: {  	v9 =	vld [tilespmem:s31+$0xFFFFFFE0];
	v14 =	vadd.f32 v14, v12;
	v20 =	vmul.f32 v20, v8  }
0x146: {  	v11 =	vld [tilespmem:s31+$0x50];
	v18 =	vadd.f32 v18, v13;
	v16 =	vmul.f32 v16, v6  }
0x147: {  	v12 =	vld [tilespmem:s31+$0xFFFFFFD0];
	v19 =	vadd.f32 v20, v14;
	v6 =	vmov v17  }
0x148: {  	v13 =	vld [tilespmem:s31+$0x40];
	v18 =	vadd.f32 v16, v18;
	v8 =	vmov v15  }
0x149: {  	v14 =	vld [tilespmem:s31+$0xFFFFFFC0];
	v17 =	vperm.xlane v19, v0  }
0x14a: {  	v15 =	vld [tilespmem:s31+$0x30];
	v20 =	vperm.xlane v18, v0  }
0x14b: {  	v16 =	vld [tilespmem:s31+$0xFFFFFFB0];
	v19 =	vadd.f32 v19, v17  }
0x14c: {  	v17 =	vld [tilespmem:s31+$0x20];
	v21 =	vadd.f32 v18, v20  }
0x14d: {  	v18 =	vld [tilespmem:s31+$0xFFFFFFA0];
	v23 =	vperm.xlane v19, v1  }
0x14e: {  	s2 =	sadd.s32 $0x100, s2;
	v20 =	vld [tilespmem:s31+$0x0];
	v24 =	vperm.xlane v21, v1  }
0x14f: {  	v22 =	vld [tilespmem:s2+$0x0];
	v19 =	vadd.f32 v19, v23  }
.Ltmp3:
0x150: {  	v23 =	vld [tilespmem:s31+$0x10];
	v28 =	vadd.f32 v21, v24;
	(pc) =	sbr.rel @p0 .LBB2_10-.Ltmp3, $4  }
0x151: {  	v24 =	vld [tilespmem:s31+$0xFFFFFF80];
	v21 =	vperm.xlane v19, v2  }
0x152: {  	v25 =	vld [tilespmem:s2+$0xFFFFFF80];
	v29 =	vperm.xlane v28, v2  }
0x153: {  	v26 =	vld [tilespmem:s31+$0xFFFFFF90];
	v21 =	vadd.f32 v19, v21  }
0x154: {  	s0 =	sadd.s32 $0x2, s0;
	v27 =	vld [tilespmem:s2+$0xFFFFFF90];
	v19 =	vadd.f32 v28, v29  }
0x155: {  	v28 =	vld [tilespmem:s2+$0x10]  }
0x156: {  	v29 =	vld [tilespmem:s2+$0xFFFFFFA0]  }
0x157: {  	v30 =	vld [tilespmem:s2+$0x20]  }
0x158: {  	v31 =	vld [tilespmem:s2+$0xFFFFFFB0]  }
0x159: {  	v41 =	vld [tilespmem:s2+$0x30];
	v24 =	vmul.f32 v25, v24;
	v40 =	vmul.f32 v27, v26  }
0x15a: {  	v42 =	vld [tilespmem:s2+$0xFFFFFFC0];
	v20 =	vmul.f32 v22, v20;
	v43 =	vmul.f32 v28, v23  }
0x15b: {  	v45 =	vld [tilespmem:s2+$0x40];
	v18 =	vmul.f32 v29, v18;
	v44 =	vadd.f32 v40, v24  }
0x15c: {  	v46 =	vld [tilespmem:s2+$0xFFFFFFD0];
	v17 =	vmul.f32 v30, v17;
	v20 =	vadd.f32 v43, v20  }
0x15d: {  	v47 =	vld [tilespmem:s2+$0x50];
	v16 =	vmul.f32 v31, v16;
	v18 =	vadd.f32 v18, v44  }
0x15e: {  	v48 =	vld [tilespmem:s2+$0xFFFFFFE0];
	v15 =	vmul.f32 v41, v15;
	v17 =	vadd.f32 v17, v20  }
0x15f: {  	v49 =	vld [tilespmem:s2+$0x60];
	v14 =	vmul.f32 v42, v14;
	v16 =	vadd.f32 v16, v18  }
0x160: {  	v50 =	vld [tilespmem:s2+$0xFFFFFFF0];
	v13 =	vmul.f32 v45, v13;
	v15 =	vadd.f32 v15, v17  }
0x161: {  	v51 =	vld [tilespmem:s2+$0x70];
	v12 =	vmul.f32 v46, v12;
	v14 =	vadd.f32 v14, v16  }
0x162: {  	v11 =	vmul.f32 v47, v11;
	v13 =	vadd.f32 v13, v15  }
0x163: {  	v9 =	vmul.f32 v48, v9;
	v12 =	vadd.f32 v12, v14  }
0x164: {  	v7 =	vmul.f32 v49, v7;
	v11 =	vadd.f32 v11, v13  }
0x165: {  	v8 =	vmul.f32 v50, v8;
	v9 =	vadd.f32 v9, v12  }
0x166: {  	v6 =	vmul.f32 v51, v6;
	v7 =	vadd.f32 v7, v11  }
0x167: {  	v8 =	vadd.f32 v8, v9  }
0x168: {  	v6 =	vadd.f32 v6, v7  }
0x169: {  	v7 =	vperm.xlane v8, v0  }
0x16a: {  	v52 =	vperm.xlane v6, v0  }
0x16b: {  	v7 =	vadd.f32 v8, v7  }
0x16c: {  	v6 =	vadd.f32 v6, v52  }
0x16d: {  	v8 =	vperm.xlane v7, v1  }
0x16e: {  	v9 =	vperm.xlane v6, v1  }
0x16f: {  	v7 =	vadd.f32 v7, v8  }
0x170: {  	v6 =	vadd.f32 v6, v9  }
0x171: {  	v54 =	vperm.xlane v7, v2  }
0x172: {  	v53 =	vperm.xlane v21, v3;
	v55 =	vperm.xlane v6, v2  }
0x173: {  	s0 =	sadd.s32 $0x1, s30;
	v57 =	vmov s30;
	v62 =	vmov s29;
	v7 =	vadd.f32 v7, v54  }
0x174: {  	v56 =	vperm.xlane v19, v3;
	v58 =	vmov s0;
	v6 =	vadd.f32 v6, v55  }
0x175: {  	s31 =	sadd.s32 $0x1, s29;
	vm0 =	veq.s32 v57, v4;
	v8 =	vadd.f32 v21, v53;
	v60 =	vperm.xlane v7, v3  }
0x176: {  	v63 =	vmov s31;
	v59 =	vadd.f32 v19, v56;
	v61 =	vperm.xlane v6, v3  }
0x177: {  	vm1 =	veq.s32 v58, v4;
	v8 =	vsel vm0, v8, v10;
	v7 =	vadd.f32 v7, v60  }
0x178: {  	vm14 =	veq.s32 v62, v4;
	v8 =	vsel vm1, v59, v8;
	v6 =	vadd.f32 v6, v61  }
0x179: {  	vm15 =	veq.s32 v63, v4;
	v7 =	vsel vm14, v7, v8  }
0x17a: {  	v6 =	vsel vm15, v6, v7  }
0x17b: {  	v6 =	vsub.f32 $0.0e+00, v6;
	_ =	sdelay $0x1  }
0x17c: {  	v6 =	vmul.f32 $1.442695020e+00, v6;
	_ =	sdelay $0x1  }
0x17d: {  	(erf) = vpow2.f32 v6;
	_ =	sdelay $0x8  }
0x17e: {  	v6 =	vpop (erf)  }
0x17f: {  	v6 =	vadd.f32 $1.000000000e+00, v6;
	_ =	sdelay $0x1  }
0x180: {  	(erf) = vrcp.f32 v6;
	_ =	sdelay $0x3  }
0x181: {  	s24 =	sadd.s32 $0x1, s24  }
0x182: {  	p0 =	sne.s32 s24, $0x5  }
.Ltmp4:
0x183: {  	_ = 	snop;
	(pc) =	sbr.rel @p0 .LBB2_9-.Ltmp4, $3  }
0x184: {  	_ =	sdelay $0x1  }
0x185: {  	v6 =	vpop (erf)  }
0x186: {  	s25 =	sadd.s32 $0x800, s25;
	s26 =	sadd.s32 $0x800, s26;
	[tilespmem:v5+s28+$0x0 ss:$0x1] =	vst.idx.msk $0xffff, v6  }
0x187: {  	p0 =	seq.s32 s22, $0x3D  }
.Ltmp5:
0x188: {  	_ = 	snop;
	(pc) =	sbr.rel @p0 .LBB2_14-.Ltmp5, $1  }
0x189: {  	_ =	sdelay $0x3  }
.Ltmp6:
0x18a: {  	(pc) =	sbr.rel .LBB2_4-.Ltmp6, $4  }
0x18b: {  	s0 =	sadd.s32 $0xF0, s23  }
0x18c: {  	[tilespmem:s15], [sflag:$0x2] =	stream.indirect.gather [hbm4b:s3+s12], $0x80, s0, s12, $0xb8;
	[tilespmem:$0x13E00] =	vst v63  }
0x18d: {  	s31 =	sadd.s32 $0x2870, s23;
	s22 =	sadd.s32 $0x1, s22  }
0x18e: {  	[tilespmem:s17], [sflag:$0x2] =	stream.indirect.gather [hbm4b:s3+s12], $0x80, s31, s12, $0xb8;
	[tilespmem:$0x13E00] =	vst v63  }
.LBB2_14:
0x18f: {  	_ =	swait.ge [sflag:s18], $0x2800  }
0x190: {  	[sflag:s18] =	ssyncset.done $0x0  }
0x191: {  	[sflag:s18] =	ssyncadd.s32 $0xFFFFD800  }
0x192: {  	_ =	swait.ge [sflag:s18], $0x2800  }
0x193: {  	s22 =	simm.s32 $0x0;
	[sflag:s18] =	ssyncset.done $0x0  }
0x194: {  	s23 =	simm.s32 $0x9F00;
	s24 =	simm.s32 $0x7700;
	[sflag:s18] =	ssyncadd.s32 $0xFFFFD800  }
.LBB2_15:
0x195: {  	v9 =	vld [tilespmem:s24+$0x70]  }
0x196: {  	v10 =	vld [tilespmem:s24+$0xFFFFFFF0]  }
0x197: {  	v8 =	vld [tilespmem:s24+$0x60]  }
0x198: {  	v6 =	vld [tilespmem:s24+$0xFFFFFFE0]  }
0x199: {  	v7 =	vld [tilespmem:s24+$0x50]  }
0x19a: {  	v5 =	vld [tilespmem:s24+$0xFFFFFFD0]  }
0x19b: {  	v11 =	vld [tilespmem:s24+$0x40]  }
0x19c: {  	v12 =	vld [tilespmem:s24+$0xFFFFFFC0]  }
0x19d: {  	v13 =	vld [tilespmem:s24+$0x30]  }
0x19e: {  	v14 =	vld [tilespmem:s24+$0xFFFFFFB0]  }
0x19f: {  	v15 =	vld [tilespmem:s24+$0x20]  }
0x1a0: {  	v16 =	vld [tilespmem:s24+$0xFFFFFFA0]  }
0x1a1: {  	v17 =	vld [tilespmem:s24+$0x0]  }
0x1a2: {  	v18 =	vld [tilespmem:s23+$0x0]  }
0x1a3: {  	v19 =	vld [tilespmem:s24+$0x10]  }
0x1a4: {  	v20 =	vld [tilespmem:s24+$0xFFFFFF80]  }
0x1a5: {  	v21 =	vld [tilespmem:s23+$0xFFFFFF80]  }
0x1a6: {  	v22 =	vld [tilespmem:s24+$0xFFFFFF90]  }
0x1a7: {  	v23 =	vld [tilespmem:s23+$0xFFFFFF90]  }
0x1a8: {  	v24 =	vld [tilespmem:s23+$0x10]  }
0x1a9: {  	v25 =	vld [tilespmem:s23+$0xFFFFFFA0]  }
0x1aa: {  	v26 =	vld [tilespmem:s23+$0x20]  }
0x1ab: {  	v27 =	vld [tilespmem:s23+$0xFFFFFFB0]  }
0x1ac: {  	v20 =	vmul.f32 v21, v20;
	v21 =	vmul.f32 v23, v22;
	v22 =	vld [tilespmem:s23+$0x30]  }
0x1ad: {  	v23 =	vld [tilespmem:s23+$0xFFFFFFC0];
	v17 =	vmul.f32 v18, v17;
	v18 =	vmul.f32 v24, v19  }
0x1ae: {  	v16 =	vmul.f32 v25, v16;
	v19 =	vadd.f32 v21, v20;
	v20 =	vld [tilespmem:s23+$0x40]  }
0x1af: {  	v15 =	vmul.f32 v26, v15;
	v21 =	vld [tilespmem:s23+$0xFFFFFFD0];
	v17 =	vadd.f32 v18, v17  }
0x1b0: {  	v14 =	vmul.f32 v27, v14;
	v18 =	vld [tilespmem:s23+$0x50];
	v16 =	vadd.f32 v16, v19  }
0x1b1: {  	v19 =	vld [tilespmem:s23+$0xFFFFFFE0];
	v15 =	vadd.f32 v15, v17;
	v13 =	vmul.f32 v22, v13  }
0x1b2: {  	v12 =	vmul.f32 v23, v12;
	v14 =	vadd.f32 v14, v16;
	v16 =	vld [tilespmem:s23+$0x60]  }
0x1b3: {  	v17 =	vld [tilespmem:s23+$0xFFFFFFF0];
	v13 =	vadd.f32 v13, v15;
	v11 =	vmul.f32 v20, v11  }
0x1b4: {  	s2 =	sadd.s32 $0x100, s23;
	v15 =	vld [tilespmem:s23+$0x70];
	v12 =	vadd.f32 v12, v14;
	v14 =	vmul.f32 v21, v5  }
0x1b5: {  	s29 =	sadd.s32 $0x100, s24;
	v24 =	vld [tilespmem:s2+$0xFFFFFF80];
	v11 =	vadd.f32 v11, v13;
	v13 =	vmul.f32 v18, v7  }
0x1b6: {  	v25 =	vld [tilespmem:s29+$0xFFFFFF90];
	v12 =	vadd.f32 v14, v12;
	v14 =	vmul.f32 v19, v6  }
0x1b7: {  	v26 =	vld [tilespmem:s2+$0xFFFFFF90];
	v11 =	vadd.f32 v13, v11;
	v13 =	vmul.f32 v16, v8  }
0x1b8: {  	v22 =	vld [tilespmem:s29+$0x10];
	v12 =	vadd.f32 v14, v12;
	v14 =	vmul.f32 v17, v10  }
0x1b9: {  	v5 =	vld [tilespmem:s29+$0x70];
	v9 =	vmul.f32 v15, v9;
	v13 =	vadd.f32 v13, v11  }
0x1ba: {  	v21 =	vld [tilespmem:s2+$0x0];
	v16 =	vadd.f32 v14, v12  }
0x1bb: {  	v7 =	vld [tilespmem:s29+$0xFFFFFFF0];
	v9 =	vadd.f32 v9, v13  }
0x1bc: {  	v6 =	vld [tilespmem:s29+$0x60];
	v17 =	vperm.xlane v16, v0  }
0x1bd: {  	v19 =	vld [tilespmem:s29+$0x0];
	v18 =	vperm.xlane v9, v0  }
0x1be: {  	v8 =	vld [tilespmem:s29+$0xFFFFFFE0];
	v20 =	vadd.f32 v16, v17  }
0x1bf: {  	v10 =	vld [tilespmem:s29+$0x50];
	v9 =	vadd.f32 v9, v18  }
0x1c0: {  	v15 =	vld [tilespmem:s29+$0xFFFFFFB0];
	v18 =	vperm.xlane v20, v1  }
0x1c1: {  	v11 =	vld [tilespmem:s29+$0xFFFFFFD0];
	v23 =	vperm.xlane v9, v1  }
0x1c2: {  	v12 =	vld [tilespmem:s29+$0x40];
	v18 =	vadd.f32 v20, v18  }
0x1c3: {  	v14 =	vld [tilespmem:s29+$0x30];
	v27 =	vadd.f32 v9, v23  }
0x1c4: {  	v13 =	vld [tilespmem:s29+$0xFFFFFFC0];
	v20 =	vperm.xlane v18, v2  }
0x1c5: {  	v16 =	vld [tilespmem:s29+$0x20];
	v28 =	vperm.xlane v27, v2  }
0x1c6: {  	s25 =	sshll.u32 s22, $0x4;
	v17 =	vld [tilespmem:s29+$0xFFFFFFA0];
	v20 =	vadd.f32 v18, v20  }
0x1c7: {  	s26 =	simm.s32 $0x2;
	s0 =	simm.s32 $0x4;
	s28 =	simm.s32 $0x0;
	v23 =	vld [tilespmem:s29+$0xFFFFFF80];
	v9 =	vimm.f32 $0.0e+00;
	v18 =	vadd.f32 v27, v28  }
.LBB2_16:
0x1c8: {  	p0 =	slt.u32 s0, $0xE;
	v27 =	vld [tilespmem:s2+$0x10];
	v28 =	vperm.xlane v20, v3  }
0x1c9: {  	s11 =	sadd.s32 $0x1, s28;
	v29 =	vld [tilespmem:s2+$0xFFFFFFA0];
	v30 =	vperm.xlane v18, v3  }
0x1ca: {  	v32 =	vmov s11;
	v31 =	vld [tilespmem:s2+$0x20];
	v20 =	vadd.f32 v20, v28;
	v28 =	vmov s28;
	s28 =	smov.u32 s26;
	s26 =	smov.u32 s0  }
0x1cb: {  	vm1 =	veq.s32 v32, v4;
	v33 =	vld [tilespmem:s2+$0xFFFFFFB0];
	vm0 =	veq.s32 v28, v4;
	v18 =	vadd.f32 v18, v30  }
0x1cc: {  	v23 =	vmul.f32 v24, v23;
	v24 =	vmul.f32 v26, v25;
	v25 =	vld [tilespmem:s2+$0x30];
	v9 =	vsel vm0, v20, v9  }
0x1cd: {  	v19 =	vmul.f32 v21, v19;
	v20 =	vld [tilespmem:s2+$0xFFFFFFC0];
	v21 =	vmul.f32 v27, v22;
	v9 =	vsel vm1, v18, v9  }
0x1ce: {  	v18 =	vadd.f32 v24, v23;
	v17 =	vmul.f32 v29, v17;
	v22 =	vld [tilespmem:s2+$0x40]  }
0x1cf: {  	v23 =	vld [tilespmem:s2+$0xFFFFFFD0];
	v19 =	vadd.f32 v21, v19;
	v16 =	vmul.f32 v31, v16  }
0x1d0: {  	v17 =	vadd.f32 v17, v18;
	v15 =	vmul.f32 v33, v15;
	v18 =	vld [tilespmem:s2+$0x50]  }
0x1d1: {  	v21 =	vld [tilespmem:s2+$0xFFFFFFE0];
	v16 =	vadd.f32 v16, v19;
	v14 =	vmul.f32 v25, v14  }
0x1d2: {  	v15 =	vadd.f32 v15, v17;
	v13 =	vmul.f32 v20, v13;
	v17 =	vld [tilespmem:s2+$0x60]  }
0x1d3: {  	v19 =	vld [tilespmem:s2+$0xFFFFFFF0];
	v14 =	vadd.f32 v14, v16;
	v12 =	vmul.f32 v22, v12  }
0x1d4: {  	s29 =	sadd.s32 $0x100, s29;
	v13 =	vadd.f32 v13, v15;
	v11 =	vmul.f32 v23, v11;
	v15 =	vld [tilespmem:s2+$0x70]  }
0x1d5: {  	v16 =	vld [tilespmem:s29+$0x70];
	v12 =	vadd.f32 v12, v14;
	v10 =	vmul.f32 v18, v10  }
0x1d6: {  	v14 =	vld [tilespmem:s29+$0xFFFFFFF0];
	v11 =	vadd.f32 v11, v13;
	v13 =	vmul.f32 v21, v8  }
0x1d7: {  	v12 =	vadd.f32 v10, v12;
	v17 =	vmul.f32 v17, v6;
	v6 =	vld [tilespmem:s29+$0x60]  }
0x1d8: {  	v8 =	vld [tilespmem:s29+$0xFFFFFFE0];
	v13 =	vadd.f32 v13, v11;
	v19 =	vmul.f32 v19, v7  }
0x1d9: {  	v10 =	vld [tilespmem:s29+$0x50];
	v17 =	vadd.f32 v17, v12;
	v15 =	vmul.f32 v15, v5  }
0x1da: {  	v11 =	vld [tilespmem:s29+$0xFFFFFFD0];
	v18 =	vadd.f32 v19, v13;
	v5 =	vmov v16  }
0x1db: {  	v12 =	vld [tilespmem:s29+$0x40];
	v17 =	vadd.f32 v15, v17;
	v7 =	vmov v14  }
0x1dc: {  	v13 =	vld [tilespmem:s29+$0xFFFFFFC0];
	v16 =	vperm.xlane v18, v0  }
0x1dd: {  	v14 =	vld [tilespmem:s29+$0x30];
	v19 =	vperm.xlane v17, v0  }
0x1de: {  	v15 =	vld [tilespmem:s29+$0xFFFFFFB0];
	v18 =	vadd.f32 v18, v16  }
0x1df: {  	v16 =	vld [tilespmem:s29+$0x20];
	v20 =	vadd.f32 v17, v19  }
0x1e0: {  	v17 =	vld [tilespmem:s29+$0xFFFFFFA0];
	v22 =	vperm.xlane v18, v1  }
0x1e1: {  	s2 =	sadd.s32 $0x100, s2;
	v19 =	vld [tilespmem:s29+$0x0];
	v23 =	vperm.xlane v20, v1  }
0x1e2: {  	v21 =	vld [tilespmem:s2+$0x0];
	v18 =	vadd.f32 v18, v22  }
.Ltmp7:
0x1e3: {  	v22 =	vld [tilespmem:s29+$0x10];
	v27 =	vadd.f32 v20, v23;
	(pc) =	sbr.rel @p0 .LBB2_16-.Ltmp7, $4  }
0x1e4: {  	v23 =	vld [tilespmem:s29+$0xFFFFFF80];
	v20 =	vperm.xlane v18, v2  }
0x1e5: {  	v24 =	vld [tilespmem:s2+$0xFFFFFF80];
	v28 =	vperm.xlane v27, v2  }
0x1e6: {  	v25 =	vld [tilespmem:s29+$0xFFFFFF90];
	v20 =	vadd.f32 v18, v20  }
0x1e7: {  	s0 =	sadd.s32 $0x2, s0;
	v26 =	vld [tilespmem:s2+$0xFFFFFF90];
	v18 =	vadd.f32 v27, v28  }
0x1e8: {  	v27 =	vld [tilespmem:s2+$0x10]  }
0x1e9: {  	v28 =	vld [tilespmem:s2+$0xFFFFFFA0]  }
0x1ea: {  	v29 =	vld [tilespmem:s2+$0x20]  }
0x1eb: {  	v30 =	vld [tilespmem:s2+$0xFFFFFFB0]  }
0x1ec: {  	v42 =	vld [tilespmem:s2+$0x30];
	v23 =	vmul.f32 v24, v23;
	v41 =	vmul.f32 v26, v25  }
0x1ed: {  	v43 =	vld [tilespmem:s2+$0xFFFFFFC0];
	v19 =	vmul.f32 v21, v19;
	v44 =	vmul.f32 v27, v22  }
0x1ee: {  	v46 =	vld [tilespmem:s2+$0x40];
	v17 =	vmul.f32 v28, v17;
	v45 =	vadd.f32 v41, v23  }
0x1ef: {  	v47 =	vld [tilespmem:s2+$0xFFFFFFD0];
	v16 =	vmul.f32 v29, v16;
	v19 =	vadd.f32 v44, v19  }
0x1f0: {  	v48 =	vld [tilespmem:s2+$0x50];
	v15 =	vmul.f32 v30, v15;
	v17 =	vadd.f32 v17, v45  }
0x1f1: {  	v49 =	vld [tilespmem:s2+$0xFFFFFFE0];
	v14 =	vmul.f32 v42, v14;
	v16 =	vadd.f32 v16, v19  }
0x1f2: {  	v50 =	vld [tilespmem:s2+$0x60];
	v13 =	vmul.f32 v43, v13;
	v15 =	vadd.f32 v15, v17  }
0x1f3: {  	v51 =	vld [tilespmem:s2+$0xFFFFFFF0];
	v12 =	vmul.f32 v46, v12;
	v14 =	vadd.f32 v14, v16  }
0x1f4: {  	v52 =	vld [tilespmem:s2+$0x70];
	v11 =	vmul.f32 v47, v11;
	v13 =	vadd.f32 v13, v15  }
0x1f5: {  	v10 =	vmul.f32 v48, v10;
	v12 =	vadd.f32 v12, v14  }
0x1f6: {  	v8 =	vmul.f32 v49, v8;
	v11 =	vadd.f32 v11, v13  }
0x1f7: {  	v6 =	vmul.f32 v50, v6;
	v10 =	vadd.f32 v10, v12  }
0x1f8: {  	v7 =	vmul.f32 v51, v7;
	v8 =	vadd.f32 v8, v11  }
0x1f9: {  	v5 =	vmul.f32 v52, v5;
	v6 =	vadd.f32 v6, v10  }
0x1fa: {  	v7 =	vadd.f32 v7, v8  }
0x1fb: {  	v5 =	vadd.f32 v5, v6  }
0x1fc: {  	v6 =	vperm.xlane v7, v0  }
0x1fd: {  	v53 =	vperm.xlane v5, v0  }
0x1fe: {  	v6 =	vadd.f32 v7, v6  }
0x1ff: {  	v5 =	vadd.f32 v5, v53  }
0x200: {  	v7 =	vperm.xlane v6, v1  }
0x201: {  	v8 =	vperm.xlane v5, v1  }
0x202: {  	v6 =	vadd.f32 v6, v7  }
0x203: {  	v5 =	vadd.f32 v5, v8  }
0x204: {  	v54 =	vperm.xlane v6, v2  }
0x205: {  	v57 =	vmov s28;
	v55 =	vperm.xlane v5, v2  }
0x206: {  	s0 =	sadd.s32 $0x1, s28;
	v62 =	vmov s26;
	v7 =	vperm.xlane v20, v3;
	v6 =	vadd.f32 v6, v54  }
0x207: {  	v56 =	vperm.xlane v18, v3;
	v58 =	vmov s0;
	v5 =	vadd.f32 v5, v55  }
0x208: {  	s31 =	sadd.s32 $0x1, s26;
	vm0 =	veq.s32 v57, v4;
	v7 =	vadd.f32 v20, v7;
	v60 =	vperm.xlane v6, v3  }
0x209: {  	v63 =	vmov s31;
	v59 =	vadd.f32 v18, v56;
	v61 =	vperm.xlane v5, v3  }
0x20a: {  	vm1 =	veq.s32 v58, v4;
	v7 =	vsel vm0, v7, v9;
	v6 =	vadd.f32 v6, v60  }
0x20b: {  	vm14 =	veq.s32 v62, v4;
	v7 =	vsel vm1, v59, v7;
	v5 =	vadd.f32 v5, v61  }
0x20c: {  	vm15 =	veq.s32 v63, v4;
	v6 =	vsel vm14, v6, v7  }
0x20d: {  	v5 =	vsel vm15, v5, v6  }
0x20e: {  	v5 =	vsub.f32 $0.0e+00, v5;
	_ =	sdelay $0x1  }
0x20f: {  	v5 =	vmul.f32 $1.442695020e+00, v5;
	_ =	sdelay $0x1  }
0x210: {  	(erf) = vpow2.f32 v5;
	_ =	sdelay $0x8  }
0x211: {  	v5 =	vpop (erf)  }
0x212: {  	v5 =	vadd.f32 $1.000000000e+00, v5;
	_ =	sdelay $0x1  }
0x213: {  	(erf) = vrcp.f32 v5;
	_ =	sdelay $0x3  }
0x214: {  	s22 =	sadd.s32 $0x1, s22  }
0x215: {  	p0 =	sne.s32 s22, $0x5  }
.Ltmp8:
0x216: {  	_ = 	snop;
	(pc) =	sbr.rel @p0 .LBB2_15-.Ltmp8, $3  }
0x217: {  	_ =	sdelay $0x1  }
0x218: {  	v5 =	vpop (erf)  }
0x219: {  	s23 =	sadd.s32 $0x800, s23;
	s24 =	sadd.s32 $0x800, s24;
	[tilespmem:s25+$0x13D40] =	vst v5  }
0x21a: {  	s21 =	sadd.s32 $0x1, s21  }
0x21b: {  	p0 =	sne.s32 s21, s8  }
.Ltmp9:
0x21c: {  	_ = 	snop;
	(pc) =	sbr.rel @p0 .LBB2_1-.Ltmp9, $4  }
0x21d: {  	[hbm4b:s7+s1] =	stream.linear.scatter [tilespmem:s20], [sflag:$0x3], $0x2710, $0x38;
	[tilespmem:$0x13E00] =	vst v63  }
0x21e: {  	_ =	swait.ge [sflag:s9], $0x2710  }
0x21f: {  	[sflag:s9] =	ssyncset.done $0x0  }
0x220: {  	[sflag:s9] =	ssyncadd.s32 $0xFFFFD8F0  }
0x221: {  	_ =	sfence.sel $0x180000  }
0x222: {  	[bflag:$0x0] =	sbarrier.arrive $0xFFFF  }
0x223: {  	_ =	strace $0x90000047  }
0x224: {  	s0 =	stileid.u32;
	[bflag:$0x2] =	sbarrier.arrive $0xFFFF  }
0x225: {  	p0 =	sne.s32 s0, $0x0;
	s0 =	rddreg [dreg:$0x5]  }
0x226: {  	s0 =	sadd.s32 @!p0 $0x100000, s0  }
0x227: {  	[sflag:s0] =	ssyncadd.tile.s32 @!p0 $0x1;
	_ =	shalt  }
.Lfunc_end2:
_tile_overlayer_lowered:
.L_overlay_start_2:
0x228: {  	(tag) =	ssettag $0x2  }
0x229: {  	s0 =	rddreg [dreg:$0x0];
	s2 =	stileid.u32  }
0x22a: {  	s1 =	rddreg [dreg:$0x1];
	p0 =	sne.s32 s2, $0x0  }
0x22b: {  	s3 =	rddreg [dreg:$0x2];
	[bflag:$0x3] =	sbarrier.arrive $0xFFFF;
	s2 =	simm.s32 @!p0 $0x1C03  }
0x22c: {  	[timem:s3], [sflag:s2] =	dma.local @!p0 [hbm:s0], s1  }
0x22d: {  	s0 =	simm.s32 @!p0 $0x3  }
0x22e: {  	_ =	swait.ge @!p0 [sflag:s0], s1  }
0x22f: {  	s1 =	ssub.s32 @!p0 $0x0, s1;
	[sflag:s0] =	ssyncset.done @!p0 $0x0  }
0x230: {  	[sflag:s0] =	ssyncadd.s32 @!p0 s1  }
0x231: {  	[bflag:$0x3] =	sbarrier.arrive $0xFFFF  }
0x232: {  	_ =	shalt  }

</sc_bundles>
